<compile_context>
chip_gen: v7x
topology: tpu7x:2x2x1
jax: 0.10.2.dev20260603
libtpu: 0.0.44.dev20260713+nightly
codegen_flags: <defaults>
</compile_context>

<pallas_src>
import jax
import jax.numpy as jnp
from jax import lax
from jax.experimental import pallas as pl
from jax.experimental.pallas import tpu as pltpu
from jax.experimental.pallas import tpu_sc as plsc

N = 10000
E = 160000
ZD = 128
CD = 128
OD = 128
T = 64

HALF = 32
K = 1000
NB = 10
NTILE = 16
EPT = E // NTILE
N_PAD = 10240
RPT = N_PAD // NTILE


_f32 = jnp.float32
_i32 = jnp.int32
_bf16 = jnp.bfloat16


def _zero_row():
    return jnp.zeros((32,), _bf16)


def _sc_combine(c, s, acc, accbuf, maskbuf, mask_hbm, first, zero_acc):
    b0 = s * RPT
    pltpu.sync_copy(acc.at[pl.ds(b0, RPT)], accbuf)

    def rbody(r, carry):
        sl = pl.ds(0, 32)
        hits = accbuf[r, sl]
        if first:
            tot = hits
        else:
            tot = hits + maskbuf[r, sl]
        one = jnp.ones((32,), _bf16)
        maskbuf[r, sl] = jnp.where(tot > _bf16(0), one, _zero_row())
        if zero_acc:
            accbuf[r, sl] = _zero_row()
        return carry

    lax.fori_loop(0, RPT, rbody, 0, unroll=False)
    pltpu.sync_copy(maskbuf, mask_hbm.at[c, pl.ds(b0, RPT)])
    if zero_acc:
        pltpu.sync_copy(accbuf, acc.at[pl.ds(b0, RPT)])


def _sc_hop(c, s, mask_hbm, ridx_all, cidx_all, rowsv, acc, sems, ssems):

    def fire(b, jb):
        pltpu.async_copy(mask_hbm.at[c].at[cidx_all.at[jb]], rowsv[b],
                         sems[b])

    def scat(b, jb):
        pltpu.make_async_copy(mask_hbm.at[c].at[cidx_all.at[jb]], rowsv[b],
                              sems[b]).wait()
        pltpu.async_copy(rowsv[b], acc.at[ridx_all.at[jb]], ssems[b],
                         add=True)

    def scat_wait(b):
        pltpu.make_async_copy(rowsv[b], acc.at[ridx_all.at[0]],
                              ssems[b]).wait()

    fire(0, 0)

    def block(jb, carry):
        @pl.when(jb % 2 == 1)
        def _():
            @pl.when(jb > 1)
            def _():
                scat_wait(1)

            fire(1, jb)
            scat(0, jb - 1)

        @pl.when(jb % 2 == 0)
        def _():
            scat_wait(0)
            fire(0, jb)
            scat(1, jb - 1)

        return carry

    lax.fori_loop(1, NB, block, 0, unroll=False)
    scat((NB - 1) % 2, NB - 1)
    scat_wait(0)
    scat_wait(1)


def _sc_body(edges3, tn, lap16, tgt, seedrows,
             mask, lapsel, tgtsel,
             acc, ridx_all, cidx_all, rowsv0, rowsv1,
             accbuf, maskbuf, tnbuf, onehot, lapselbuf, tgtselbuf,
             gsem0, gsem1, ssem0, ssem1):
    c = lax.axis_index("c")
    s = lax.axis_index("s")
    rowsv = (rowsv0, rowsv1)
    sems = (gsem0, gsem1)
    ssems = (ssem0, ssem1)

    pltpu.sync_copy(edges3.at[0, pl.ds(s * NB, NB)], ridx_all)
    pltpu.sync_copy(edges3.at[1, pl.ds(s * NB, NB)], cidx_all)

    def zbody(r, carry):
        accbuf[r, pl.ds(0, 32)] = _zero_row()
        return carry

    lax.fori_loop(0, RPT, zbody, 0, unroll=False)
    pltpu.sync_copy(accbuf, acc.at[pl.ds(s * RPT, RPT)])
    plsc.subcore_barrier()

    @pl.when(s == 0)
    def _():
        pltpu.sync_copy(tn, tnbuf)
        pltpu.sync_copy(seedrows.at[pl.ds(c * T, T)], onehot)
        pltpu.sync_copy(onehot, acc.at[tnbuf], add=True)

    @pl.when((s == 1) & (c == 0))
    def _():
        pltpu.sync_copy(tn, tnbuf)
        pltpu.async_copy(lap16.at[tnbuf], lapselbuf, gsem0).wait()
        pltpu.sync_copy(lapselbuf, lapsel)

    @pl.when((s == 1) & (c == 1))
    def _():
        pltpu.sync_copy(tn, tnbuf)
        pltpu.async_copy(tgt.at[tnbuf], tgtselbuf, gsem0).wait()
        pltpu.sync_copy(tgtselbuf, tgtsel)

    plsc.subcore_barrier()

    _sc_combine(c, s, acc, accbuf, maskbuf, mask, True, True)
    plsc.subcore_barrier()

    for _hop_i in range(2):
        last = _hop_i == 1
        _sc_hop(c, s, mask, ridx_all, cidx_all, rowsv, acc, sems, ssems)
        plsc.subcore_barrier()
        _sc_combine(c, s, acc, accbuf, maskbuf, mask, False, not last)
        plsc.subcore_barrier()


def _sc_expand(edges3, tn, lap16, tgt, seedrows):
    mesh = plsc.VectorSubcoreMesh(core_axis_name="c", subcore_axis_name="s")
    fn = pl.kernel(
        _sc_body,
        out_type=(
            jax.ShapeDtypeStruct((2, N_PAD, HALF), _bf16),
            jax.ShapeDtypeStruct((T, 16), _f32),
            jax.ShapeDtypeStruct((T, OD), _f32),
        ),
        mesh=mesh,
        compiler_params=pltpu.CompilerParams(use_tc_tiling_on_sc=False),
        scratch_types=[
            pltpu.VMEM_SHARED((N_PAD, HALF), _bf16),
            pltpu.VMEM((NB, K), _i32),
            pltpu.VMEM((NB, K), _i32),
            pltpu.VMEM((K, HALF), _bf16),
            pltpu.VMEM((K, HALF), _bf16),
            pltpu.VMEM((RPT, HALF), _bf16),
            pltpu.VMEM((RPT, HALF), _bf16),
            pltpu.VMEM((T,), _i32),
            pltpu.VMEM((T, HALF), _bf16),
            pltpu.VMEM((T, 16), _f32),
            pltpu.VMEM((T, OD), _f32),
            pltpu.SemaphoreType.DMA,
            pltpu.SemaphoreType.DMA,
            pltpu.SemaphoreType.DMA,
            pltpu.SemaphoreType.DMA,
        ],
    )
    return fn(edges3, tn, lap16, tgt, seedrows)


BN = 2000
NG = N // BN


def _tc_body(ctx_ref, lap16_ref, mlo_ref, mhi_ref, w1_ref, w2_ref, w3_ref,
             wpe16_ref, z_ref, b_ref, lapsel_ref, tgtsel_ref, loss_ref, hacc):
    i = pl.program_id(0)

    @pl.when(i == 0)
    def _():
        hacc[...] = jnp.zeros_like(hacc)

    f32 = jnp.float32
    wpe2 = jnp.dot(wpe16_ref[...], w2_ref[...], preferred_element_type=f32)
    zb = jnp.dot(z_ref[...], w2_ref[...], preferred_element_type=f32) + b_ref[...]
    base = (jnp.dot(ctx_ref[...], w1_ref[...], preferred_element_type=f32)
            + jnp.dot(lap16_ref[...], wpe2, preferred_element_type=f32)
            + zb)
    rowsq = jnp.sum(base * base, axis=1, keepdims=True)
    lane = lax.broadcasted_iota(jnp.int32, (BN, OD), 1)
    x2 = jnp.where(lane == 0, rowsq,
                   jnp.where(lane == 1, f32(1.0), f32(0.0)))
    y = jnp.concatenate([base, x2], axis=1)
    m = jnp.concatenate([mlo_ref[0], mhi_ref[0]],
                        axis=1).astype(f32)
    hacc[...] += lax.dot_general(m, y, (((0,), (0,)), ((), ())),
                                 preferred_element_type=f32)

    @pl.when(i == NG - 1)
    def _():
        h = hacc[...]
        g = h[:, :OD]
        a = h[:, OD:OD + 1]
        s = h[:, OD + 1:OD + 2]
        wpe3 = jnp.dot(wpe16_ref[...], w3_ref[...], preferred_element_type=f32)
        z3 = jnp.dot(z_ref[...], w3_ref[...], preferred_element_type=f32)
        cmat = (z3 + jnp.dot(lapsel_ref[...], wpe3, preferred_element_type=f32)
                - tgtsel_ref[...])
        bc = jnp.sum(g * cmat, axis=1, keepdims=True)
        cc = jnp.sum(cmat * cmat, axis=1, keepdims=True)
        per = (a + 2.0 * bc + s * cc) / (s * f32(OD))
        loss_ref[...] = jnp.sum(per).reshape(1, 1)


def _tc_reduce(ctx, lap16, mlo, mhi, w1, w2, w3, wpe16, z, b1, lapsel, tgtsel):
    grid = (NG,)
    row_spec = lambda cols: pl.BlockSpec((BN, cols), lambda i: (i, 0))
    full = lambda shape: pl.BlockSpec(shape, lambda i: (0, 0))
    return pl.pallas_call(
        _tc_body,
        grid=grid,
        in_specs=[
            row_spec(CD),
            row_spec(16),
            pl.BlockSpec((1, BN, HALF), lambda i: (0, i, 0)),
            pl.BlockSpec((1, BN, HALF), lambda i: (1, i, 0)),
            full((CD, OD)),
            full((ZD, OD)),
            full((ZD, OD)),
            full((16, ZD)),
            full((1, ZD)),
            full((1, OD)),
            full((T, 16)),
            full((T, OD)),
        ],
        out_specs=pl.BlockSpec((1, 1), lambda i: (0, 0)),
        out_shape=jax.ShapeDtypeStruct((1, 1), _f32),
        scratch_shapes=[pltpu.VMEM((T, 2 * OD), _f32)],
    )(ctx, lap16, mlo, mhi, w1, w2, w3, wpe16, z, b1, lapsel, tgtsel)


def kernel(edge_index, laplacian_eigenvector_pe, context_embedding,
           target_embedding, target_nodes, z, W_pe, W_pred, b_pred):
    lap16 = jnp.pad(laplacian_eigenvector_pe, ((0, 0), (0, 12)))
    wpe16 = jnp.pad(W_pe, ((0, 12), (0, 0)))
    w1 = W_pred[0:CD]
    w2 = W_pred[CD:CD + ZD]
    w3 = W_pred[CD + ZD:CD + 2 * ZD]
    b1 = b_pred.reshape(1, OD)

    eye = jnp.eye(HALF, dtype=jnp.bfloat16)
    zer = jnp.zeros((HALF, HALF), jnp.bfloat16)
    seedrows = jnp.concatenate(
        [eye, zer, zer, eye], axis=0)
    edges3 = edge_index.reshape(2, E // K, K)
    mask, lapsel, tgtsel = _sc_expand(edges3, target_nodes,
                                      lap16, target_embedding, seedrows)
    loss = _tc_reduce(context_embedding, lap16, mask, mask, w1, w2, w3, wpe16,
                      z, b1, lapsel, tgtsel)
    return loss[0, 0]

# --- scband reference (transcript-rebuilt; emitter-appended) ---
"""Pipeline reference for scband-mp-jepa-76957224010257 (READ-ONLY COPY).

The authoritative reference and input builder live on the scoring server;
editing this copy changes nothing except your own understanding.
"""

import jax, jax.numpy as jnp
import numpy as np

N = 10000
E = 160000
ZD = 128
CD = 128
OD = 128
T = 64


def _xavier(key, shape):
    fan_in, fan_out = shape[0], shape[1]
    a = np.sqrt(6.0 / (fan_in + fan_out))
    return jax.random.uniform(key, shape, minval=-a, maxval=a, dtype=jnp.float32)


def setup_inputs(seed: int = 0) -> dict:
    key = jax.random.key(seed)
    ks = jax.random.split(key, 9)
    edge_index = jax.random.randint(ks[0], (2, E), 0, N, dtype=jnp.int32)
    laplacian_eigenvector_pe = jax.random.normal(ks[1], (N, 4), dtype=jnp.float32)
    context_embedding = jax.random.normal(ks[2], (N, CD), dtype=jnp.float32)
    target_embedding = jax.random.normal(ks[3], (N, OD), dtype=jnp.float32)
    target_nodes = jax.random.randint(ks[4], (T,), 0, N, dtype=jnp.int32)
    z = _xavier(ks[5], (1, ZD))
    W_pe = _xavier(ks[6], (4, ZD))  # pe_projector: Linear(4, z_dim, bias=False)
    W_pred = _xavier(ks[7], (CD + 2 * ZD, OD))  # predictor: Linear(CD+2*ZD, OD)
    b_pred = jnp.zeros((OD,), dtype=jnp.float32)
    return {
        'edge_index': edge_index,
        'laplacian_eigenvector_pe': laplacian_eigenvector_pe,
        'context_embedding': context_embedding,
        'target_embedding': target_embedding,
        'target_nodes': target_nodes,
        'z': z,
        'W_pe': W_pe,
        'W_pred': W_pred,
        'b_pred': b_pred,
    }


def _k_hop_mask(node, row, col, num_hops=2):
    # PyG k_hop_subgraph with flow='source_to_target': grow subset by adding
    # source nodes (row) of edges whose target (col) is in the subset.
    mask = jnp.zeros(N, dtype=bool).at[node].set(True)
    for _ in range(num_hops):
        sel = mask[col]
        hits = jnp.zeros(N, dtype=jnp.int32).at[row].add(sel.astype(jnp.int32))
        mask = mask | (hits > 0)
    return mask


def reference(edge_index, laplacian_eigenvector_pe, context_embedding,
              target_embedding, target_nodes, z, W_pe, W_pred, b_pred):
    position_encoding = laplacian_eigenvector_pe @ W_pe  # [N, ZD]
    row, col = edge_index[0], edge_index[1]

    def body(loss, node):
        mask = _k_hop_mask(node, row, col, num_hops=2)
        S = jnp.sum(mask).astype(jnp.float32)
        z_ctx_pe = z + position_encoding                               # [N, ZD]
        z_tgt_pe = jnp.broadcast_to(z + position_encoding[node][None, :], (N, ZD))
        agg = jnp.concatenate([context_embedding, z_ctx_pe, z_tgt_pe], axis=1)
        batch_pred = agg @ W_pred + b_pred                             # [N, OD]
        sub_target = target_embedding[node][None, :]
        sq = (batch_pred - sub_target) ** 2
        masked = jnp.where(mask[:, None], sq, jnp.float32(0.0))
        batch_loss = jnp.sum(masked) / (S * OD)                        # MSELoss
        return loss + batch_loss, None

    loss, _ = jax.lax.scan(body, jnp.float32(0.0), target_nodes)
    return loss

if __name__ == "__main__":
    import jax
    _d = setup_inputs()
    print(jax.jit(kernel)(*tuple(_d.values())))

</pallas_src>

<mosaic_0001>
#map = affine_map<(d0, d1) -> (0, 0, 0)>
#map1 = affine_map<(d0, d1) -> (0)>
#map2 = affine_map<(d0, d1) -> (0, 0)>
module attributes {stable_mosaic.version = 14 : i64} {
  func.func @_sc_body(%arg0: i32, %arg1: i32, %arg2: memref<2x160x1000xi32, #tpu.memory_space<hbm>>, %arg3: memref<64xi32, #tpu.memory_space<hbm>>, %arg4: memref<10000x16xf32, #tpu.memory_space<hbm>>, %arg5: memref<10000x128xf32, #tpu.memory_space<hbm>>, %arg6: memref<128x32xbf16, #tpu.memory_space<hbm>>, %arg7: memref<2x10240x32xbf16, #tpu.memory_space<hbm>>, %arg8: memref<64x16xf32, #tpu.memory_space<hbm>>, %arg9: memref<64x128xf32, #tpu.memory_space<hbm>>, %arg10: memref<10240x32xbf16, #tpu.memory_space<vmem_shared>>, %arg11: memref<10x1000xi32, #tpu.memory_space<vmem>>, %arg12: memref<10x1000xi32, #tpu.memory_space<vmem>>, %arg13: memref<1000x32xbf16, #tpu.memory_space<vmem>>, %arg14: memref<1000x32xbf16, #tpu.memory_space<vmem>>, %arg15: memref<640x32xbf16, #tpu.memory_space<vmem>>, %arg16: memref<640x32xbf16, #tpu.memory_space<vmem>>, %arg17: memref<64xi32, #tpu.memory_space<vmem>>, %arg18: memref<64x32xbf16, #tpu.memory_space<vmem>>, %arg19: memref<64x16xf32, #tpu.memory_space<vmem>>, %arg20: memref<64x128xf32, #tpu.memory_space<vmem>>, %arg21: memref<!tpu.dma_semaphore, #tpu.memory_space<semaphore_mem>>, %arg22: memref<!tpu.dma_semaphore, #tpu.memory_space<semaphore_mem>>, %arg23: memref<!tpu.dma_semaphore, #tpu.memory_space<semaphore_mem>>, %arg24: memref<!tpu.dma_semaphore, #tpu.memory_space<semaphore_mem>>) attributes {dimension_semantics = [#tpu.dimension_semantics<core_parallel>, #tpu.dimension_semantics<subcore_parallel>], iteration_bounds = array<i64: 2, 16>, scalar_prefetch = 0 : i64, scratch_operands = 15 : i64, tpu.core_type = #tpu.core_type<sc_vector_subcore>, window_params = [{transform_indices = #map}, {transform_indices = #map1}, {transform_indices = #map2}, {transform_indices = #map2}, {transform_indices = #map2}, {transform_indices = #map}, {transform_indices = #map2}, {transform_indices = #map2}]} {
    %mul3A = arith.constant 10 : i32
    %mul3A_0 = arith.muli %arg1, %mul3A : i32
    %run_scoped3A = arith.constant 0 : i32
    "tpu.region"() ({
      %run_scoped3A_154 = tpu.sem_alloc : memref<!tpu.dma_semaphore, #tpu.memory_space<semaphore_mem>>
      %dma_start3A_155 = arith.constant 0 : i32
      %dma_start3A_156 = tpu.memref_slice %arg2[%run_scoped3A, %mul3A_0, %dma_start3A_155] : memref<2x160x1000xi32, #tpu.memory_space<hbm>> -> memref<1x10x1000xi32, #tpu.memory_space<hbm>>
      %dma_start3A_157 = tpu.memref_squeeze %dma_start3A_156 : memref<1x10x1000xi32, #tpu.memory_space<hbm>> -> memref<10x1000xi32, #tpu.memory_space<hbm>>
      %dma_start3A_158 = arith.constant 0 : i32
      %dma_start3A_159 = tpu.memref_slice %arg2[%run_scoped3A, %mul3A_0, %dma_start3A_158] : memref<2x160x1000xi32, #tpu.memory_space<hbm>> -> memref<1x10x1000xi32, #tpu.memory_space<hbm>>
      %dma_start3A_160 = tpu.memref_squeeze %dma_start3A_159 : memref<1x10x1000xi32, #tpu.memory_space<hbm>> -> memref<10x1000xi32, #tpu.memory_space<hbm>>
      tpu.enqueue_dma source(%dma_start3A_160 : memref<10x1000xi32, #tpu.memory_space<hbm>>) target(%arg11 : memref<10x1000xi32, #tpu.memory_space<vmem>>) target_semaphore(%run_scoped3A_154 : memref<!tpu.dma_semaphore, #tpu.memory_space<semaphore_mem>>)
      %dma_wait3A_161 = arith.constant 0 : i32
      %dma_wait3A_162 = tpu.memref_slice %arg2[%run_scoped3A, %mul3A_0, %dma_wait3A_161] : memref<2x160x1000xi32, #tpu.memory_space<hbm>> -> memref<1x10x1000xi32, #tpu.memory_space<hbm>>
      %dma_wait3A_163 = tpu.memref_squeeze %dma_wait3A_162 : memref<1x10x1000xi32, #tpu.memory_space<hbm>> -> memref<10x1000xi32, #tpu.memory_space<hbm>>
      %dma_wait3A_164 = arith.constant 0 : i32
      %dma_wait3A_165 = tpu.memref_slice %arg2[%run_scoped3A, %mul3A_0, %dma_wait3A_164] : memref<2x160x1000xi32, #tpu.memory_space<hbm>> -> memref<1x10x1000xi32, #tpu.memory_space<hbm>>
      %dma_wait3A_166 = tpu.memref_squeeze %dma_wait3A_165 : memref<1x10x1000xi32, #tpu.memory_space<hbm>> -> memref<10x1000xi32, #tpu.memory_space<hbm>>
      tpu.wait_dma2 semaphore(%run_scoped3A_154 : memref<!tpu.dma_semaphore, #tpu.memory_space<semaphore_mem>>) src(%dma_wait3A_166 : memref<10x1000xi32, #tpu.memory_space<hbm>>) dst(%arg11 : memref<10x1000xi32, #tpu.memory_space<vmem>>)
      tpu.yield
    }) : () -> ()
    %mul3A_1 = arith.constant 10 : i32
    %mul3A_2 = arith.muli %arg1, %mul3A_1 : i32
    %run_scoped3A_3 = arith.constant 1 : i32
    "tpu.region"() ({
      %run_scoped3A_154 = tpu.sem_alloc : memref<!tpu.dma_semaphore, #tpu.memory_space<semaphore_mem>>
      %dma_start3A_155 = arith.constant 0 : i32
      %dma_start3A_156 = tpu.memref_slice %arg2[%run_scoped3A_3, %mul3A_2, %dma_start3A_155] : memref<2x160x1000xi32, #tpu.memory_space<hbm>> -> memref<1x10x1000xi32, #tpu.memory_space<hbm>>
      %dma_start3A_157 = tpu.memref_squeeze %dma_start3A_156 : memref<1x10x1000xi32, #tpu.memory_space<hbm>> -> memref<10x1000xi32, #tpu.memory_space<hbm>>
      %dma_start3A_158 = arith.constant 0 : i32
      %dma_start3A_159 = tpu.memref_slice %arg2[%run_scoped3A_3, %mul3A_2, %dma_start3A_158] : memref<2x160x1000xi32, #tpu.memory_space<hbm>> -> memref<1x10x1000xi32, #tpu.memory_space<hbm>>
      %dma_start3A_160 = tpu.memref_squeeze %dma_start3A_159 : memref<1x10x1000xi32, #tpu.memory_space<hbm>> -> memref<10x1000xi32, #tpu.memory_space<hbm>>
      tpu.enqueue_dma source(%dma_start3A_160 : memref<10x1000xi32, #tpu.memory_space<hbm>>) target(%arg12 : memref<10x1000xi32, #tpu.memory_space<vmem>>) target_semaphore(%run_scoped3A_154 : memref<!tpu.dma_semaphore, #tpu.memory_space<semaphore_mem>>)
      %dma_wait3A_161 = arith.constant 0 : i32
      %dma_wait3A_162 = tpu.memref_slice %arg2[%run_scoped3A_3, %mul3A_2, %dma_wait3A_161] : memref<2x160x1000xi32, #tpu.memory_space<hbm>> -> memref<1x10x1000xi32, #tpu.memory_space<hbm>>
      %dma_wait3A_163 = tpu.memref_squeeze %dma_wait3A_162 : memref<1x10x1000xi32, #tpu.memory_space<hbm>> -> memref<10x1000xi32, #tpu.memory_space<hbm>>
      %dma_wait3A_164 = arith.constant 0 : i32
      %dma_wait3A_165 = tpu.memref_slice %arg2[%run_scoped3A_3, %mul3A_2, %dma_wait3A_164] : memref<2x160x1000xi32, #tpu.memory_space<hbm>> -> memref<1x10x1000xi32, #tpu.memory_space<hbm>>
      %dma_wait3A_166 = tpu.memref_squeeze %dma_wait3A_165 : memref<1x10x1000xi32, #tpu.memory_space<hbm>> -> memref<10x1000xi32, #tpu.memory_space<hbm>>
      tpu.wait_dma2 semaphore(%run_scoped3A_154 : memref<!tpu.dma_semaphore, #tpu.memory_space<semaphore_mem>>) src(%dma_wait3A_166 : memref<10x1000xi32, #tpu.memory_space<hbm>>) dst(%arg12 : memref<10x1000xi32, #tpu.memory_space<vmem>>)
      tpu.yield
    }) : () -> ()
    %scan3A = arith.constant 0 : i32
    %scan3A_4 = arith.constant 0 : i32
    %scan3A_5 = arith.constant 640 : i32
    %scan3A_6 = arith.addi %scan3A_4, %scan3A_5 : i32
    %scan3A_7 = arith.constant 1 : i32
    scf.for %scan3A_154 = %scan3A_4 to %scan3A_6 step %scan3A_7  : i32 {
      %broadcast_in_dim3A = arith.constant 0.000000e+00 : bf16
      %broadcast_in_dim3A_155 = vector.broadcast %broadcast_in_dim3A : bf16 to vector<32xbf16>
      %swap3A = arith.index_cast %scan3A_154 : i32 to index
      %swap3A_156 = arith.constant 0 : index
      %swap3A_157 = tpu.vector_load %arg15[%swap3A, %swap3A_156] {strides = array<i32>} : memref<640x32xbf16, #tpu.memory_space<vmem>>, vector<1x32xbf16>,
      %swap3A_158 = vector.shape_cast %swap3A_157 : vector<1x32xbf16> to vector<32xbf16>
      %swap3A_159 = vector.shape_cast %broadcast_in_dim3A_155 : vector<32xbf16> to vector<1x32xbf16>
      tpu.vector_store %arg15[%swap3A, %swap3A_156], %swap3A_159 {strides = array<i32>} : memref<640x32xbf16, #tpu.memory_space<vmem>>, vector<1x32xbf16>,
    }
    %scan3A_8 = arith.constant 640 : i32
    %mul3A_9 = arith.constant 640 : i32
    %mul3A_10 = arith.muli %arg1, %mul3A_9 : i32
    "tpu.region"() ({
      %run_scoped3A_154 = tpu.sem_alloc : memref<!tpu.dma_semaphore, #tpu.memory_space<semaphore_mem>>
      %dma_start3A_155 = arith.constant 0 : i32
      %dma_start3A_156 = tpu.memref_slice %arg10[%mul3A_10, %dma_start3A_155] : memref<10240x32xbf16, #tpu.memory_space<vmem_shared>> -> memref<640x32xbf16, #tpu.memory_space<vmem_shared>>
      %dma_start3A_157 = arith.constant 0 : i32
      %dma_start3A_158 = tpu.memref_slice %arg10[%mul3A_10, %dma_start3A_157] : memref<10240x32xbf16, #tpu.memory_space<vmem_shared>> -> memref<640x32xbf16, #tpu.memory_space<vmem_shared>>
      tpu.enqueue_dma source(%arg15 : memref<640x32xbf16, #tpu.memory_space<vmem>>) target(%dma_start3A_158 : memref<640x32xbf16, #tpu.memory_space<vmem_shared>>) target_semaphore(%run_scoped3A_154 : memref<!tpu.dma_semaphore, #tpu.memory_space<semaphore_mem>>)
      %dma_wait3A_159 = arith.constant 0 : i32
      %dma_wait3A_160 = tpu.memref_slice %arg10[%mul3A_10, %dma_wait3A_159] : memref<10240x32xbf16, #tpu.memory_space<vmem_shared>> -> memref<640x32xbf16, #tpu.memory_space<vmem_shared>>
      %dma_wait3A_161 = arith.constant 0 : i32
      %dma_wait3A_162 = tpu.memref_slice %arg10[%mul3A_10, %dma_wait3A_161] : memref<10240x32xbf16, #tpu.memory_space<vmem_shared>> -> memref<640x32xbf16, #tpu.memory_space<vmem_shared>>
      tpu.wait_dma2 semaphore(%run_scoped3A_154 : memref<!tpu.dma_semaphore, #tpu.memory_space<semaphore_mem>>) src(%arg15 : memref<640x32xbf16, #tpu.memory_space<vmem>>) dst(%dma_wait3A_162 : memref<640x32xbf16, #tpu.memory_space<vmem_shared>>)
      tpu.yield
    }) : () -> ()
    %barrier3A = arith.constant 0 : index
    tpu.barrier barrier_id(%barrier3A)
    %eq3A = arith.constant 0 : i32
    %eq3A_11 = arith.cmpi eq, %arg1, %eq3A : i32
    %convert_element_type3A = arith.extui %eq3A_11 : i1 to i32
    %cond3A = arith.constant 0 : i32
    %cond3A_12 = arith.cmpi ne, %convert_element_type3A, %cond3A : i32
    scf.if %cond3A_12 {
      "tpu.region"() ({
        %run_scoped3A_156 = tpu.sem_alloc : memref<!tpu.dma_semaphore, #tpu.memory_space<semaphore_mem>>
        tpu.enqueue_dma source(%arg3 : memref<64xi32, #tpu.memory_space<hbm>>) target(%arg17 : memref<64xi32, #tpu.memory_space<vmem>>) target_semaphore(%run_scoped3A_156 : memref<!tpu.dma_semaphore, #tpu.memory_space<semaphore_mem>>)
        tpu.wait_dma2 semaphore(%run_scoped3A_156 : memref<!tpu.dma_semaphore, #tpu.memory_space<semaphore_mem>>) src(%arg3 : memref<64xi32, #tpu.memory_space<hbm>>) dst(%arg17 : memref<64xi32, #tpu.memory_space<vmem>>)
        tpu.yield
      }) : () -> ()
      %mul3A_154 = arith.constant 64 : i32
      %mul3A_155 = arith.muli %arg0, %mul3A_154 : i32
      "tpu.region"() ({
        %run_scoped3A_156 = tpu.sem_alloc : memref<!tpu.dma_semaphore, #tpu.memory_space<semaphore_mem>>
        %dma_start3A_157 = arith.constant 0 : i32
        %dma_start3A_158 = tpu.memref_slice %arg6[%mul3A_155, %dma_start3A_157] : memref<128x32xbf16, #tpu.memory_space<hbm>> -> memref<64x32xbf16, #tpu.memory_space<hbm>>
        %dma_start3A_159 = arith.constant 0 : i32
        %dma_start3A_160 = tpu.memref_slice %arg6[%mul3A_155, %dma_start3A_159] : memref<128x32xbf16, #tpu.memory_space<hbm>> -> memref<64x32xbf16, #tpu.memory_space<hbm>>
        tpu.enqueue_dma source(%dma_start3A_160 : memref<64x32xbf16, #tpu.memory_space<hbm>>) target(%arg18 : memref<64x32xbf16, #tpu.memory_space<vmem>>) target_semaphore(%run_scoped3A_156 : memref<!tpu.dma_semaphore, #tpu.memory_space<semaphore_mem>>)
        %dma_wait3A_161 = arith.constant 0 : i32
        %dma_wait3A_162 = tpu.memref_slice %arg6[%mul3A_155, %dma_wait3A_161] : memref<128x32xbf16, #tpu.memory_space<hbm>> -> memref<64x32xbf16, #tpu.memory_space<hbm>>
        %dma_wait3A_163 = arith.constant 0 : i32
        %dma_wait3A_164 = tpu.memref_slice %arg6[%mul3A_155, %dma_wait3A_163] : memref<128x32xbf16, #tpu.memory_space<hbm>> -> memref<64x32xbf16, #tpu.memory_space<hbm>>
        tpu.wait_dma2 semaphore(%run_scoped3A_156 : memref<!tpu.dma_semaphore, #tpu.memory_space<semaphore_mem>>) src(%dma_wait3A_164 : memref<64x32xbf16, #tpu.memory_space<hbm>>) dst(%arg18 : memref<64x32xbf16, #tpu.memory_space<vmem>>)
        tpu.yield
      }) : () -> ()
      "tpu.region"() ({
        %run_scoped3A_156 = tpu.sem_alloc : memref<!tpu.dma_semaphore, #tpu.memory_space<semaphore_mem>>
        %dma_start3A_157 = arith.constant 0 : i32
        %dma_start3A_158 = arith.constant 0 : i32
        %dma_start3A_159 = tpu.memref_slice %arg10[%dma_start3A_157, %dma_start3A_158] : memref<10240x32xbf16, #tpu.memory_space<vmem_shared>> -> memref<10240x32xbf16, #tpu.memory_space<vmem_shared>>
        tpu.enqueue_indirect_dma source(%arg18 : memref<64x32xbf16, #tpu.memory_space<vmem>>) target(%dma_start3A_159 : memref<10240x32xbf16, #tpu.memory_space<vmem_shared>>) offsets(%arg17 : memref<64xi32, #tpu.memory_space<vmem>>) semaphore(%run_scoped3A_156 : memref<!tpu.dma_semaphore, #tpu.memory_space<semaphore_mem>>) {add = true}
        %dma_wait3A_160 = arith.constant 0 : i32
        %dma_wait3A_161 = arith.constant 0 : i32
        %dma_wait3A_162 = tpu.memref_slice %arg10[%dma_wait3A_160, %dma_wait3A_161] : memref<10240x32xbf16, #tpu.memory_space<vmem_shared>> -> memref<10240x32xbf16, #tpu.memory_space<vmem_shared>>
        tpu.wait_indirect_dma semaphore(%run_scoped3A_156 : memref<!tpu.dma_semaphore, #tpu.memory_space<semaphore_mem>>) src(%arg18 : memref<64x32xbf16, #tpu.memory_space<vmem>>) dst(%dma_wait3A_162 : memref<10240x32xbf16, #tpu.memory_space<vmem_shared>>)
        tpu.yield
      }) : () -> ()
    } else {
    }
    %eq3A_13 = arith.constant 1 : i32
    %eq3A_14 = arith.cmpi eq, %arg1, %eq3A_13 : i32
    %eq3A_15 = arith.constant 0 : i32
    %eq3A_16 = arith.cmpi eq, %arg0, %eq3A_15 : i32
    %and3A = arith.andi %eq3A_14, %eq3A_16 : i1
    %convert_element_type3A_17 = arith.extui %and3A : i1 to i32
    %cond3A_18 = arith.constant 0 : i32
    %cond3A_19 = arith.cmpi ne, %convert_element_type3A_17, %cond3A_18 : i32
    scf.if %cond3A_19 {
      "tpu.region"() ({
        %run_scoped3A_160 = tpu.sem_alloc : memref<!tpu.dma_semaphore, #tpu.memory_space<semaphore_mem>>
        tpu.enqueue_dma source(%arg3 : memref<64xi32, #tpu.memory_space<hbm>>) target(%arg17 : memref<64xi32, #tpu.memory_space<vmem>>) target_semaphore(%run_scoped3A_160 : memref<!tpu.dma_semaphore, #tpu.memory_space<semaphore_mem>>)
        tpu.wait_dma2 semaphore(%run_scoped3A_160 : memref<!tpu.dma_semaphore, #tpu.memory_space<semaphore_mem>>) src(%arg3 : memref<64xi32, #tpu.memory_space<hbm>>) dst(%arg17 : memref<64xi32, #tpu.memory_space<vmem>>)
        tpu.yield
      }) : () -> ()
      %dma_start3A_154 = arith.constant 0 : i32
      %dma_start3A_155 = arith.constant 0 : i32
      %dma_start3A_156 = tpu.memref_slice %arg4[%dma_start3A_154, %dma_start3A_155] : memref<10000x16xf32, #tpu.memory_space<hbm>> -> memref<10000x16xf32, #tpu.memory_space<hbm>>
      tpu.enqueue_indirect_dma source(%dma_start3A_156 : memref<10000x16xf32, #tpu.memory_space<hbm>>) target(%arg19 : memref<64x16xf32, #tpu.memory_space<vmem>>) offsets(%arg17 : memref<64xi32, #tpu.memory_space<vmem>>) semaphore(%arg21 : memref<!tpu.dma_semaphore, #tpu.memory_space<semaphore_mem>>)
      %dma_wait3A_157 = arith.constant 0 : i32
      %dma_wait3A_158 = arith.constant 0 : i32
      %dma_wait3A_159 = tpu.memref_slice %arg4[%dma_wait3A_157, %dma_wait3A_158] : memref<10000x16xf32, #tpu.memory_space<hbm>> -> memref<10000x16xf32, #tpu.memory_space<hbm>>
      tpu.wait_indirect_dma semaphore(%arg21 : memref<!tpu.dma_semaphore, #tpu.memory_space<semaphore_mem>>) src(%dma_wait3A_159 : memref<10000x16xf32, #tpu.memory_space<hbm>>) dst(%arg19 : memref<64x16xf32, #tpu.memory_space<vmem>>)
      "tpu.region"() ({
        %run_scoped3A_160 = tpu.sem_alloc : memref<!tpu.dma_semaphore, #tpu.memory_space<semaphore_mem>>
        tpu.enqueue_dma source(%arg19 : memref<64x16xf32, #tpu.memory_space<vmem>>) target(%arg8 : memref<64x16xf32, #tpu.memory_space<hbm>>) target_semaphore(%run_scoped3A_160 : memref<!tpu.dma_semaphore, #tpu.memory_space<semaphore_mem>>)
        tpu.wait_dma2 semaphore(%run_scoped3A_160 : memref<!tpu.dma_semaphore, #tpu.memory_space<semaphore_mem>>) src(%arg19 : memref<64x16xf32, #tpu.memory_space<vmem>>) dst(%arg8 : memref<64x16xf32, #tpu.memory_space<hbm>>)
        tpu.yield
      }) : () -> ()
    } else {
    }
    %eq3A_20 = arith.constant 1 : i32
    %eq3A_21 = arith.cmpi eq, %arg1, %eq3A_20 : i32
    %eq3A_22 = arith.constant 1 : i32
    %eq3A_23 = arith.cmpi eq, %arg0, %eq3A_22 : i32
    %and3A_24 = arith.andi %eq3A_21, %eq3A_23 : i1
    %convert_element_type3A_25 = arith.extui %and3A_24 : i1 to i32
    %cond3A_26 = arith.constant 0 : i32
    %cond3A_27 = arith.cmpi ne, %convert_element_type3A_25, %cond3A_26 : i32
    scf.if %cond3A_27 {
      "tpu.region"() ({
        %run_scoped3A_160 = tpu.sem_alloc : memref<!tpu.dma_semaphore, #tpu.memory_space<semaphore_mem>>
        tpu.enqueue_dma source(%arg3 : memref<64xi32, #tpu.memory_space<hbm>>) target(%arg17 : memref<64xi32, #tpu.memory_space<vmem>>) target_semaphore(%run_scoped3A_160 : memref<!tpu.dma_semaphore, #tpu.memory_space<semaphore_mem>>)
        tpu.wait_dma2 semaphore(%run_scoped3A_160 : memref<!tpu.dma_semaphore, #tpu.memory_space<semaphore_mem>>) src(%arg3 : memref<64xi32, #tpu.memory_space<hbm>>) dst(%arg17 : memref<64xi32, #tpu.memory_space<vmem>>)
        tpu.yield
      }) : () -> ()
      %dma_start3A_154 = arith.constant 0 : i32
      %dma_start3A_155 = arith.constant 0 : i32
      %dma_start3A_156 = tpu.memref_slice %arg5[%dma_start3A_154, %dma_start3A_155] : memref<10000x128xf32, #tpu.memory_space<hbm>> -> memref<10000x128xf32, #tpu.memory_space<hbm>>
      tpu.enqueue_indirect_dma source(%dma_start3A_156 : memref<10000x128xf32, #tpu.memory_space<hbm>>) target(%arg20 : memref<64x128xf32, #tpu.memory_space<vmem>>) offsets(%arg17 : memref<64xi32, #tpu.memory_space<vmem>>) semaphore(%arg21 : memref<!tpu.dma_semaphore, #tpu.memory_space<semaphore_mem>>)
      %dma_wait3A_157 = arith.constant 0 : i32
      %dma_wait3A_158 = arith.constant 0 : i32
      %dma_wait3A_159 = tpu.memref_slice %arg5[%dma_wait3A_157, %dma_wait3A_158] : memref<10000x128xf32, #tpu.memory_space<hbm>> -> memref<10000x128xf32, #tpu.memory_space<hbm>>
      tpu.wait_indirect_dma semaphore(%arg21 : memref<!tpu.dma_semaphore, #tpu.memory_space<semaphore_mem>>) src(%dma_wait3A_159 : memref<10000x128xf32, #tpu.memory_space<hbm>>) dst(%arg20 : memref<64x128xf32, #tpu.memory_space<vmem>>)
      "tpu.region"() ({
        %run_scoped3A_160 = tpu.sem_alloc : memref<!tpu.dma_semaphore, #tpu.memory_space<semaphore_mem>>
        tpu.enqueue_dma source(%arg20 : memref<64x128xf32, #tpu.memory_space<vmem>>) target(%arg9 : memref<64x128xf32, #tpu.memory_space<hbm>>) target_semaphore(%run_scoped3A_160 : memref<!tpu.dma_semaphore, #tpu.memory_space<semaphore_mem>>)
        tpu.wait_dma2 semaphore(%run_scoped3A_160 : memref<!tpu.dma_semaphore, #tpu.memory_space<semaphore_mem>>) src(%arg20 : memref<64x128xf32, #tpu.memory_space<vmem>>) dst(%arg9 : memref<64x128xf32, #tpu.memory_space<hbm>>)
        tpu.yield
      }) : () -> ()
    } else {
    }
    %barrier3A_28 = arith.constant 0 : index
    tpu.barrier barrier_id(%barrier3A_28)
    %mul3A_29 = arith.constant 640 : i32
    %mul3A_30 = arith.muli %arg1, %mul3A_29 : i32
    "tpu.region"() ({
      %run_scoped3A_154 = tpu.sem_alloc : memref<!tpu.dma_semaphore, #tpu.memory_space<semaphore_mem>>
      %dma_start3A_155 = arith.constant 0 : i32
      %dma_start3A_156 = tpu.memref_slice %arg10[%mul3A_30, %dma_start3A_155] : memref<10240x32xbf16, #tpu.memory_space<vmem_shared>> -> memref<640x32xbf16, #tpu.memory_space<vmem_shared>>
      %dma_start3A_157 = arith.constant 0 : i32
      %dma_start3A_158 = tpu.memref_slice %arg10[%mul3A_30, %dma_start3A_157] : memref<10240x32xbf16, #tpu.memory_space<vmem_shared>> -> memref<640x32xbf16, #tpu.memory_space<vmem_shared>>
      tpu.enqueue_dma source(%dma_start3A_158 : memref<640x32xbf16, #tpu.memory_space<vmem_shared>>) target(%arg15 : memref<640x32xbf16, #tpu.memory_space<vmem>>) target_semaphore(%run_scoped3A_154 : memref<!tpu.dma_semaphore, #tpu.memory_space<semaphore_mem>>)
      %dma_wait3A_159 = arith.constant 0 : i32
      %dma_wait3A_160 = tpu.memref_slice %arg10[%mul3A_30, %dma_wait3A_159] : memref<10240x32xbf16, #tpu.memory_space<vmem_shared>> -> memref<640x32xbf16, #tpu.memory_space<vmem_shared>>
      %dma_wait3A_161 = arith.constant 0 : i32
      %dma_wait3A_162 = tpu.memref_slice %arg10[%mul3A_30, %dma_wait3A_161] : memref<10240x32xbf16, #tpu.memory_space<vmem_shared>> -> memref<640x32xbf16, #tpu.memory_space<vmem_shared>>
      tpu.wait_dma2 semaphore(%run_scoped3A_154 : memref<!tpu.dma_semaphore, #tpu.memory_space<semaphore_mem>>) src(%dma_wait3A_162 : memref<640x32xbf16, #tpu.memory_space<vmem_shared>>) dst(%arg15 : memref<640x32xbf16, #tpu.memory_space<vmem>>)
      tpu.yield
    }) : () -> ()
    %scan3A_31 = arith.constant 0 : i32
    %scan3A_32 = arith.constant 0 : i32
    %scan3A_33 = arith.constant 640 : i32
    %scan3A_34 = arith.addi %scan3A_32, %scan3A_33 : i32
    %scan3A_35 = arith.constant 1 : i32
    scf.for %scan3A_154 = %scan3A_32 to %scan3A_34 step %scan3A_35  : i32 {
      %get3A = arith.index_cast %scan3A_154 : i32 to index
      %get3A_155 = arith.constant 0 : index
      %get3A_156 = tpu.vector_load %arg15[%get3A, %get3A_155] {strides = array<i32>} : memref<640x32xbf16, #tpu.memory_space<vmem>>, vector<1x32xbf16>,
      %get3A_157 = vector.shape_cast %get3A_156 : vector<1x32xbf16> to vector<32xbf16>
      %broadcast_in_dim3A = arith.constant 1.000000e+00 : bf16
      %broadcast_in_dim3A_158 = vector.broadcast %broadcast_in_dim3A : bf16 to vector<32xbf16>
      %gt3A = arith.constant 0.000000e+00 : bf16
      %gt3A_159 = vector.broadcast %gt3A : bf16 to vector<32xbf16>
      %gt3A_160 = arith.cmpf ogt, %get3A_157, %gt3A_159 : vector<32xbf16>
      %broadcast_in_dim3A_161 = arith.constant 0.000000e+00 : bf16
      %broadcast_in_dim3A_162 = vector.broadcast %broadcast_in_dim3A_161 : bf16 to vector<32xbf16>
      %select_n3A = arith.select %gt3A_160, %broadcast_in_dim3A_158, %broadcast_in_dim3A_162 : vector<32xi1>, vector<32xbf16>
      %swap3A = arith.index_cast %scan3A_154 : i32 to index
      %swap3A_163 = arith.constant 0 : index
      %swap3A_164 = tpu.vector_load %arg16[%swap3A, %swap3A_163] {strides = array<i32>} : memref<640x32xbf16, #tpu.memory_space<vmem>>, vector<1x32xbf16>,
      %swap3A_165 = vector.shape_cast %swap3A_164 : vector<1x32xbf16> to vector<32xbf16>
      %swap3A_166 = vector.shape_cast %select_n3A : vector<32xbf16> to vector<1x32xbf16>
      tpu.vector_store %arg16[%swap3A, %swap3A_163], %swap3A_166 {strides = array<i32>} : memref<640x32xbf16, #tpu.memory_space<vmem>>, vector<1x32xbf16>,
      %broadcast_in_dim3A_167 = arith.constant 0.000000e+00 : bf16
      %broadcast_in_dim3A_168 = vector.broadcast %broadcast_in_dim3A_167 : bf16 to vector<32xbf16>
      %swap3A_169 = arith.index_cast %scan3A_154 : i32 to index
      %swap3A_170 = arith.constant 0 : index
      %swap3A_171 = tpu.vector_load %arg15[%swap3A_169, %swap3A_170] {strides = array<i32>} : memref<640x32xbf16, #tpu.memory_space<vmem>>, vector<1x32xbf16>,
      %swap3A_172 = vector.shape_cast %swap3A_171 : vector<1x32xbf16> to vector<32xbf16>
      %swap3A_173 = vector.shape_cast %broadcast_in_dim3A_168 : vector<32xbf16> to vector<1x32xbf16>
      tpu.vector_store %arg15[%swap3A_169, %swap3A_170], %swap3A_173 {strides = array<i32>} : memref<640x32xbf16, #tpu.memory_space<vmem>>, vector<1x32xbf16>,
    }
    %scan3A_36 = arith.constant 640 : i32
    "tpu.region"() ({
      %run_scoped3A_154 = tpu.sem_alloc : memref<!tpu.dma_semaphore, #tpu.memory_space<semaphore_mem>>
      %dma_start3A_155 = arith.constant 0 : i32
      %dma_start3A_156 = tpu.memref_slice %arg7[%arg0, %mul3A_30, %dma_start3A_155] : memref<2x10240x32xbf16, #tpu.memory_space<hbm>> -> memref<1x640x32xbf16, #tpu.memory_space<hbm>>
      %dma_start3A_157 = tpu.memref_squeeze %dma_start3A_156 : memref<1x640x32xbf16, #tpu.memory_space<hbm>> -> memref<640x32xbf16, #tpu.memory_space<hbm>>
      %dma_start3A_158 = arith.constant 0 : i32
      %dma_start3A_159 = tpu.memref_slice %arg7[%arg0, %mul3A_30, %dma_start3A_158] : memref<2x10240x32xbf16, #tpu.memory_space<hbm>> -> memref<1x640x32xbf16, #tpu.memory_space<hbm>>
      %dma_start3A_160 = tpu.memref_squeeze %dma_start3A_159 : memref<1x640x32xbf16, #tpu.memory_space<hbm>> -> memref<640x32xbf16, #tpu.memory_space<hbm>>
      tpu.enqueue_dma source(%arg16 : memref<640x32xbf16, #tpu.memory_space<vmem>>) target(%dma_start3A_160 : memref<640x32xbf16, #tpu.memory_space<hbm>>) target_semaphore(%run_scoped3A_154 : memref<!tpu.dma_semaphore, #tpu.memory_space<semaphore_mem>>)
      %dma_wait3A_161 = arith.constant 0 : i32
      %dma_wait3A_162 = tpu.memref_slice %arg7[%arg0, %mul3A_30, %dma_wait3A_161] : memref<2x10240x32xbf16, #tpu.memory_space<hbm>> -> memref<1x640x32xbf16, #tpu.memory_space<hbm>>
      %dma_wait3A_163 = tpu.memref_squeeze %dma_wait3A_162 : memref<1x640x32xbf16, #tpu.memory_space<hbm>> -> memref<640x32xbf16, #tpu.memory_space<hbm>>
      %dma_wait3A_164 = arith.constant 0 : i32
      %dma_wait3A_165 = tpu.memref_slice %arg7[%arg0, %mul3A_30, %dma_wait3A_164] : memref<2x10240x32xbf16, #tpu.memory_space<hbm>> -> memref<1x640x32xbf16, #tpu.memory_space<hbm>>
      %dma_wait3A_166 = tpu.memref_squeeze %dma_wait3A_165 : memref<1x640x32xbf16, #tpu.memory_space<hbm>> -> memref<640x32xbf16, #tpu.memory_space<hbm>>
      tpu.wait_dma2 semaphore(%run_scoped3A_154 : memref<!tpu.dma_semaphore, #tpu.memory_space<semaphore_mem>>) src(%arg16 : memref<640x32xbf16, #tpu.memory_space<vmem>>) dst(%dma_wait3A_166 : memref<640x32xbf16, #tpu.memory_space<hbm>>)
      tpu.yield
    }) : () -> ()
    "tpu.region"() ({
      %run_scoped3A_154 = tpu.sem_alloc : memref<!tpu.dma_semaphore, #tpu.memory_space<semaphore_mem>>
      %dma_start3A_155 = arith.constant 0 : i32
      %dma_start3A_156 = tpu.memref_slice %arg10[%mul3A_30, %dma_start3A_155] : memref<10240x32xbf16, #tpu.memory_space<vmem_shared>> -> memref<640x32xbf16, #tpu.memory_space<vmem_shared>>
      %dma_start3A_157 = arith.constant 0 : i32
      %dma_start3A_158 = tpu.memref_slice %arg10[%mul3A_30, %dma_start3A_157] : memref<10240x32xbf16, #tpu.memory_space<vmem_shared>> -> memref<640x32xbf16, #tpu.memory_space<vmem_shared>>
      tpu.enqueue_dma source(%arg15 : memref<640x32xbf16, #tpu.memory_space<vmem>>) target(%dma_start3A_158 : memref<640x32xbf16, #tpu.memory_space<vmem_shared>>) target_semaphore(%run_scoped3A_154 : memref<!tpu.dma_semaphore, #tpu.memory_space<semaphore_mem>>)
      %dma_wait3A_159 = arith.constant 0 : i32
      %dma_wait3A_160 = tpu.memref_slice %arg10[%mul3A_30, %dma_wait3A_159] : memref<10240x32xbf16, #tpu.memory_space<vmem_shared>> -> memref<640x32xbf16, #tpu.memory_space<vmem_shared>>
      %dma_wait3A_161 = arith.constant 0 : i32
      %dma_wait3A_162 = tpu.memref_slice %arg10[%mul3A_30, %dma_wait3A_161] : memref<10240x32xbf16, #tpu.memory_space<vmem_shared>> -> memref<640x32xbf16, #tpu.memory_space<vmem_shared>>
      tpu.wait_dma2 semaphore(%run_scoped3A_154 : memref<!tpu.dma_semaphore, #tpu.memory_space<semaphore_mem>>) src(%arg15 : memref<640x32xbf16, #tpu.memory_space<vmem>>) dst(%dma_wait3A_162 : memref<640x32xbf16, #tpu.memory_space<vmem_shared>>)
      tpu.yield
    }) : () -> ()
    %barrier3A_37 = arith.constant 0 : index
    tpu.barrier barrier_id(%barrier3A_37)
    %dma_start3A = arith.constant 0 : i32
    %dma_start3A_38 = arith.constant 0 : i32
    %dma_start3A_39 = tpu.memref_slice %arg12[%dma_start3A, %dma_start3A_38] : memref<10x1000xi32, #tpu.memory_space<vmem>> -> memref<1x1000xi32, #tpu.memory_space<vmem>>
    %dma_start3A_40 = tpu.memref_squeeze %dma_start3A_39 : memref<1x1000xi32, #tpu.memory_space<vmem>> -> memref<1000xi32, #tpu.memory_space<vmem>>
    %dma_start3A_41 = arith.constant 0 : i32
    %dma_start3A_42 = arith.constant 0 : i32
    %dma_start3A_43 = tpu.memref_slice %arg7[%arg0, %dma_start3A_41, %dma_start3A_42] : memref<2x10240x32xbf16, #tpu.memory_space<hbm>> -> memref<1x10240x32xbf16, #tpu.memory_space<hbm>>
    %dma_start3A_44 = tpu.memref_squeeze %dma_start3A_43 : memref<1x10240x32xbf16, #tpu.memory_space<hbm>> -> memref<10240x32xbf16, #tpu.memory_space<hbm>>
    %dma_start3A_45 = arith.constant 0 : i32
    %dma_start3A_46 = arith.constant 0 : i32
    %dma_start3A_47 = tpu.memref_slice %dma_start3A_44[%dma_start3A_45, %dma_start3A_46] : memref<10240x32xbf16, #tpu.memory_space<hbm>> -> memref<10240x32xbf16, #tpu.memory_space<hbm>>
    tpu.enqueue_indirect_dma source(%dma_start3A_47 : memref<10240x32xbf16, #tpu.memory_space<hbm>>) target(%arg13 : memref<1000x32xbf16, #tpu.memory_space<vmem>>) offsets(%dma_start3A_40 : memref<1000xi32, #tpu.memory_space<vmem>>) semaphore(%arg21 : memref<!tpu.dma_semaphore, #tpu.memory_space<semaphore_mem>>)
    %scan3A_48 = arith.constant 0 : i32
    %scan3A_49 = arith.constant 1 : i32
    %scan3A_50 = arith.constant 9 : i32
    %scan3A_51 = arith.addi %scan3A_49, %scan3A_50 : i32
    %scan3A_52 = arith.constant 1 : i32
    scf.for %scan3A_154 = %scan3A_49 to %scan3A_51 step %scan3A_52  : i32 {
      %jit3A = arith.constant 2 : i32
      %eq3A_155 = arith.constant 0 : i32
      %eq3A_156 = arith.cmpi eq, %jit3A, %eq3A_155 : i32
      %jit3A_157 = arith.constant 1 : i32
      %select_n3A = arith.select %eq3A_156, %jit3A_157, %jit3A : i32
      %rem3A = arith.remsi %scan3A_154, %select_n3A : i32
      %ne3A = arith.constant 0 : i32
      %ne3A_158 = arith.cmpi ne, %rem3A, %ne3A : i32
      %lt3A = arith.constant 0 : i32
      %lt3A_159 = arith.cmpi slt, %rem3A, %lt3A : i32
      %lt3A_160 = arith.constant 0 : i32
      %lt3A_161 = arith.cmpi slt, %select_n3A, %lt3A_160 : i32
      %ne3A_162 = arith.xori %lt3A_159, %lt3A_161 : i1
      %and3A_163 = arith.andi %ne3A_162, %ne3A_158 : i1
      %add3A = arith.addi %rem3A, %select_n3A : i32
      %select_n3A_164 = arith.select %and3A_163, %add3A, %rem3A : i32
      %eq3A_165 = arith.constant 1 : i32
      %eq3A_166 = arith.cmpi eq, %select_n3A_164, %eq3A_165 : i32
      %convert_element_type3A_167 = arith.extui %eq3A_166 : i1 to i32
      %cond3A_168 = arith.constant 0 : i32
      %cond3A_169 = arith.cmpi ne, %convert_element_type3A_167, %cond3A_168 : i32
      scf.if %cond3A_169 {
        %gt3A = arith.constant 1 : i32
        %gt3A_191 = arith.cmpi sgt, %scan3A_154, %gt3A : i32
        %convert_element_type3A_192 = arith.extui %gt3A_191 : i1 to i32
        %cond3A_193 = arith.constant 0 : i32
        %cond3A_194 = arith.cmpi ne, %convert_element_type3A_192, %cond3A_193 : i32
        scf.if %cond3A_194 {
          %dma_wait3A_222 = arith.constant 0 : i32
          %dma_wait3A_223 = arith.constant 0 : i32
          %dma_wait3A_224 = tpu.memref_slice %arg11[%dma_wait3A_222, %dma_wait3A_223] : memref<10x1000xi32, #tpu.memory_space<vmem>> -> memref<1x1000xi32, #tpu.memory_space<vmem>>
          %dma_wait3A_225 = tpu.memref_squeeze %dma_wait3A_224 : memref<1x1000xi32, #tpu.memory_space<vmem>> -> memref<1000xi32, #tpu.memory_space<vmem>>
          %dma_wait3A_226 = arith.constant 0 : i32
          %dma_wait3A_227 = arith.constant 0 : i32
          %dma_wait3A_228 = tpu.memref_slice %arg10[%dma_wait3A_226, %dma_wait3A_227] : memref<10240x32xbf16, #tpu.memory_space<vmem_shared>> -> memref<10240x32xbf16, #tpu.memory_space<vmem_shared>>
          tpu.wait_indirect_dma semaphore(%arg24 : memref<!tpu.dma_semaphore, #tpu.memory_space<semaphore_mem>>) src(%arg14 : memref<1000x32xbf16, #tpu.memory_space<vmem>>) dst(%dma_wait3A_228 : memref<10240x32xbf16, #tpu.memory_space<vmem_shared>>)
        } else {
        }
        %dma_start3A_195 = arith.constant 0 : i32
        %dma_start3A_196 = tpu.memref_slice %arg12[%scan3A_154, %dma_start3A_195] : memref<10x1000xi32, #tpu.memory_space<vmem>> -> memref<1x1000xi32, #tpu.memory_space<vmem>>
        %dma_start3A_197 = tpu.memref_squeeze %dma_start3A_196 : memref<1x1000xi32, #tpu.memory_space<vmem>> -> memref<1000xi32, #tpu.memory_space<vmem>>
        %dma_start3A_198 = arith.constant 0 : i32
        %dma_start3A_199 = arith.constant 0 : i32
        %dma_start3A_200 = tpu.memref_slice %arg7[%arg0, %dma_start3A_198, %dma_start3A_199] : memref<2x10240x32xbf16, #tpu.memory_space<hbm>> -> memref<1x10240x32xbf16, #tpu.memory_space<hbm>>
        %dma_start3A_201 = tpu.memref_squeeze %dma_start3A_200 : memref<1x10240x32xbf16, #tpu.memory_space<hbm>> -> memref<10240x32xbf16, #tpu.memory_space<hbm>>
        %dma_start3A_202 = arith.constant 0 : i32
        %dma_start3A_203 = arith.constant 0 : i32
        %dma_start3A_204 = tpu.memref_slice %dma_start3A_201[%dma_start3A_202, %dma_start3A_203] : memref<10240x32xbf16, #tpu.memory_space<hbm>> -> memref<10240x32xbf16, #tpu.memory_space<hbm>>
        tpu.enqueue_indirect_dma source(%dma_start3A_204 : memref<10240x32xbf16, #tpu.memory_space<hbm>>) target(%arg14 : memref<1000x32xbf16, #tpu.memory_space<vmem>>) offsets(%dma_start3A_197 : memref<1000xi32, #tpu.memory_space<vmem>>) semaphore(%arg22 : memref<!tpu.dma_semaphore, #tpu.memory_space<semaphore_mem>>)
        %sub3A = arith.constant 1 : i32
        %sub3A_205 = arith.subi %scan3A_154, %sub3A : i32
        %dma_wait3A_206 = arith.constant 0 : i32
        %dma_wait3A_207 = tpu.memref_slice %arg12[%sub3A_205, %dma_wait3A_206] : memref<10x1000xi32, #tpu.memory_space<vmem>> -> memref<1x1000xi32, #tpu.memory_space<vmem>>
        %dma_wait3A_208 = tpu.memref_squeeze %dma_wait3A_207 : memref<1x1000xi32, #tpu.memory_space<vmem>> -> memref<1000xi32, #tpu.memory_space<vmem>>
        %dma_wait3A_209 = arith.constant 0 : i32
        %dma_wait3A_210 = arith.constant 0 : i32
        %dma_wait3A_211 = tpu.memref_slice %arg7[%arg0, %dma_wait3A_209, %dma_wait3A_210] : memref<2x10240x32xbf16, #tpu.memory_space<hbm>> -> memref<1x10240x32xbf16, #tpu.memory_space<hbm>>
        %dma_wait3A_212 = tpu.memref_squeeze %dma_wait3A_211 : memref<1x10240x32xbf16, #tpu.memory_space<hbm>> -> memref<10240x32xbf16, #tpu.memory_space<hbm>>
        %dma_wait3A_213 = arith.constant 0 : i32
        %dma_wait3A_214 = arith.constant 0 : i32
        %dma_wait3A_215 = tpu.memref_slice %dma_wait3A_212[%dma_wait3A_213, %dma_wait3A_214] : memref<10240x32xbf16, #tpu.memory_space<hbm>> -> memref<10240x32xbf16, #tpu.memory_space<hbm>>
        tpu.wait_indirect_dma semaphore(%arg21 : memref<!tpu.dma_semaphore, #tpu.memory_space<semaphore_mem>>) src(%dma_wait3A_215 : memref<10240x32xbf16, #tpu.memory_space<hbm>>) dst(%arg13 : memref<1000x32xbf16, #tpu.memory_space<vmem>>)
        %dma_start3A_216 = arith.constant 0 : i32
        %dma_start3A_217 = tpu.memref_slice %arg11[%sub3A_205, %dma_start3A_216] : memref<10x1000xi32, #tpu.memory_space<vmem>> -> memref<1x1000xi32, #tpu.memory_space<vmem>>
        %dma_start3A_218 = tpu.memref_squeeze %dma_start3A_217 : memref<1x1000xi32, #tpu.memory_space<vmem>> -> memref<1000xi32, #tpu.memory_space<vmem>>
        %dma_start3A_219 = arith.constant 0 : i32
        %dma_start3A_220 = arith.constant 0 : i32
        %dma_start3A_221 = tpu.memref_slice %arg10[%dma_start3A_219, %dma_start3A_220] : memref<10240x32xbf16, #tpu.memory_space<vmem_shared>> -> memref<10240x32xbf16, #tpu.memory_space<vmem_shared>>
        tpu.enqueue_indirect_dma source(%arg13 : memref<1000x32xbf16, #tpu.memory_space<vmem>>) target(%dma_start3A_221 : memref<10240x32xbf16, #tpu.memory_space<vmem_shared>>) offsets(%dma_start3A_218 : memref<1000xi32, #tpu.memory_space<vmem>>) semaphore(%arg23 : memref<!tpu.dma_semaphore, #tpu.memory_space<semaphore_mem>>) {add = true}
      } else {
      }
      %jit3A_170 = arith.constant 2 : i32
      %eq3A_171 = arith.constant 0 : i32
      %eq3A_172 = arith.cmpi eq, %jit3A_170, %eq3A_171 : i32
      %jit3A_173 = arith.constant 1 : i32
      %select_n3A_174 = arith.select %eq3A_172, %jit3A_173, %jit3A_170 : i32
      %rem3A_175 = arith.remsi %scan3A_154, %select_n3A_174 : i32
      %ne3A_176 = arith.constant 0 : i32
      %ne3A_177 = arith.cmpi ne, %rem3A_175, %ne3A_176 : i32
      %lt3A_178 = arith.constant 0 : i32
      %lt3A_179 = arith.cmpi slt, %rem3A_175, %lt3A_178 : i32
      %lt3A_180 = arith.constant 0 : i32
      %lt3A_181 = arith.cmpi slt, %select_n3A_174, %lt3A_180 : i32
      %ne3A_182 = arith.xori %lt3A_179, %lt3A_181 : i1
      %and3A_183 = arith.andi %ne3A_182, %ne3A_177 : i1
      %add3A_184 = arith.addi %rem3A_175, %select_n3A_174 : i32
      %select_n3A_185 = arith.select %and3A_183, %add3A_184, %rem3A_175 : i32
      %eq3A_186 = arith.constant 0 : i32
      %eq3A_187 = arith.cmpi eq, %select_n3A_185, %eq3A_186 : i32
      %convert_element_type3A_188 = arith.extui %eq3A_187 : i1 to i32
      %cond3A_189 = arith.constant 0 : i32
      %cond3A_190 = arith.cmpi ne, %convert_element_type3A_188, %cond3A_189 : i32
      scf.if %cond3A_190 {
        %dma_wait3A_191 = arith.constant 0 : i32
        %dma_wait3A_192 = arith.constant 0 : i32
        %dma_wait3A_193 = tpu.memref_slice %arg11[%dma_wait3A_191, %dma_wait3A_192] : memref<10x1000xi32, #tpu.memory_space<vmem>> -> memref<1x1000xi32, #tpu.memory_space<vmem>>
        %dma_wait3A_194 = tpu.memref_squeeze %dma_wait3A_193 : memref<1x1000xi32, #tpu.memory_space<vmem>> -> memref<1000xi32, #tpu.memory_space<vmem>>
        %dma_wait3A_195 = arith.constant 0 : i32
        %dma_wait3A_196 = arith.constant 0 : i32
        %dma_wait3A_197 = tpu.memref_slice %arg10[%dma_wait3A_195, %dma_wait3A_196] : memref<10240x32xbf16, #tpu.memory_space<vmem_shared>> -> memref<10240x32xbf16, #tpu.memory_space<vmem_shared>>
        tpu.wait_indirect_dma semaphore(%arg23 : memref<!tpu.dma_semaphore, #tpu.memory_space<semaphore_mem>>) src(%arg13 : memref<1000x32xbf16, #tpu.memory_space<vmem>>) dst(%dma_wait3A_197 : memref<10240x32xbf16, #tpu.memory_space<vmem_shared>>)
        %dma_start3A_198 = arith.constant 0 : i32
        %dma_start3A_199 = tpu.memref_slice %arg12[%scan3A_154, %dma_start3A_198] : memref<10x1000xi32, #tpu.memory_space<vmem>> -> memref<1x1000xi32, #tpu.memory_space<vmem>>
        %dma_start3A_200 = tpu.memref_squeeze %dma_start3A_199 : memref<1x1000xi32, #tpu.memory_space<vmem>> -> memref<1000xi32, #tpu.memory_space<vmem>>
        %dma_start3A_201 = arith.constant 0 : i32
        %dma_start3A_202 = arith.constant 0 : i32
        %dma_start3A_203 = tpu.memref_slice %arg7[%arg0, %dma_start3A_201, %dma_start3A_202] : memref<2x10240x32xbf16, #tpu.memory_space<hbm>> -> memref<1x10240x32xbf16, #tpu.memory_space<hbm>>
        %dma_start3A_204 = tpu.memref_squeeze %dma_start3A_203 : memref<1x10240x32xbf16, #tpu.memory_space<hbm>> -> memref<10240x32xbf16, #tpu.memory_space<hbm>>
        %dma_start3A_205 = arith.constant 0 : i32
        %dma_start3A_206 = arith.constant 0 : i32
        %dma_start3A_207 = tpu.memref_slice %dma_start3A_204[%dma_start3A_205, %dma_start3A_206] : memref<10240x32xbf16, #tpu.memory_space<hbm>> -> memref<10240x32xbf16, #tpu.memory_space<hbm>>
        tpu.enqueue_indirect_dma source(%dma_start3A_207 : memref<10240x32xbf16, #tpu.memory_space<hbm>>) target(%arg13 : memref<1000x32xbf16, #tpu.memory_space<vmem>>) offsets(%dma_start3A_200 : memref<1000xi32, #tpu.memory_space<vmem>>) semaphore(%arg21 : memref<!tpu.dma_semaphore, #tpu.memory_space<semaphore_mem>>)
        %sub3A = arith.constant 1 : i32
        %sub3A_208 = arith.subi %scan3A_154, %sub3A : i32
        %dma_wait3A_209 = arith.constant 0 : i32
        %dma_wait3A_210 = tpu.memref_slice %arg12[%sub3A_208, %dma_wait3A_209] : memref<10x1000xi32, #tpu.memory_space<vmem>> -> memref<1x1000xi32, #tpu.memory_space<vmem>>
        %dma_wait3A_211 = tpu.memref_squeeze %dma_wait3A_210 : memref<1x1000xi32, #tpu.memory_space<vmem>> -> memref<1000xi32, #tpu.memory_space<vmem>>
        %dma_wait3A_212 = arith.constant 0 : i32
        %dma_wait3A_213 = arith.constant 0 : i32
        %dma_wait3A_214 = tpu.memref_slice %arg7[%arg0, %dma_wait3A_212, %dma_wait3A_213] : memref<2x10240x32xbf16, #tpu.memory_space<hbm>> -> memref<1x10240x32xbf16, #tpu.memory_space<hbm>>
        %dma_wait3A_215 = tpu.memref_squeeze %dma_wait3A_214 : memref<1x10240x32xbf16, #tpu.memory_space<hbm>> -> memref<10240x32xbf16, #tpu.memory_space<hbm>>
        %dma_wait3A_216 = arith.constant 0 : i32
        %dma_wait3A_217 = arith.constant 0 : i32
        %dma_wait3A_218 = tpu.memref_slice %dma_wait3A_215[%dma_wait3A_216, %dma_wait3A_217] : memref<10240x32xbf16, #tpu.memory_space<hbm>> -> memref<10240x32xbf16, #tpu.memory_space<hbm>>
        tpu.wait_indirect_dma semaphore(%arg22 : memref<!tpu.dma_semaphore, #tpu.memory_space<semaphore_mem>>) src(%dma_wait3A_218 : memref<10240x32xbf16, #tpu.memory_space<hbm>>) dst(%arg14 : memref<1000x32xbf16, #tpu.memory_space<vmem>>)
        %dma_start3A_219 = arith.constant 0 : i32
        %dma_start3A_220 = tpu.memref_slice %arg11[%sub3A_208, %dma_start3A_219] : memref<10x1000xi32, #tpu.memory_space<vmem>> -> memref<1x1000xi32, #tpu.memory_space<vmem>>
        %dma_start3A_221 = tpu.memref_squeeze %dma_start3A_220 : memref<1x1000xi32, #tpu.memory_space<vmem>> -> memref<1000xi32, #tpu.memory_space<vmem>>
        %dma_start3A_222 = arith.constant 0 : i32
        %dma_start3A_223 = arith.constant 0 : i32
        %dma_start3A_224 = tpu.memref_slice %arg10[%dma_start3A_222, %dma_start3A_223] : memref<10240x32xbf16, #tpu.memory_space<vmem_shared>> -> memref<10240x32xbf16, #tpu.memory_space<vmem_shared>>
        tpu.enqueue_indirect_dma source(%arg14 : memref<1000x32xbf16, #tpu.memory_space<vmem>>) target(%dma_start3A_224 : memref<10240x32xbf16, #tpu.memory_space<vmem_shared>>) offsets(%dma_start3A_221 : memref<1000xi32, #tpu.memory_space<vmem>>) semaphore(%arg24 : memref<!tpu.dma_semaphore, #tpu.memory_space<semaphore_mem>>) {add = true}
      } else {
      }
    }
    %scan3A_53 = arith.constant 9 : i32
    %dma_wait3A = arith.constant 9 : i32
    %dma_wait3A_54 = arith.constant 0 : i32
    %dma_wait3A_55 = tpu.memref_slice %arg12[%dma_wait3A, %dma_wait3A_54] : memref<10x1000xi32, #tpu.memory_space<vmem>> -> memref<1x1000xi32, #tpu.memory_space<vmem>>
    %dma_wait3A_56 = tpu.memref_squeeze %dma_wait3A_55 : memref<1x1000xi32, #tpu.memory_space<vmem>> -> memref<1000xi32, #tpu.memory_space<vmem>>
    %dma_wait3A_57 = arith.constant 0 : i32
    %dma_wait3A_58 = arith.constant 0 : i32
    %dma_wait3A_59 = tpu.memref_slice %arg7[%arg0, %dma_wait3A_57, %dma_wait3A_58] : memref<2x10240x32xbf16, #tpu.memory_space<hbm>> -> memref<1x10240x32xbf16, #tpu.memory_space<hbm>>
    %dma_wait3A_60 = tpu.memref_squeeze %dma_wait3A_59 : memref<1x10240x32xbf16, #tpu.memory_space<hbm>> -> memref<10240x32xbf16, #tpu.memory_space<hbm>>
    %dma_wait3A_61 = arith.constant 0 : i32
    %dma_wait3A_62 = arith.constant 0 : i32
    %dma_wait3A_63 = tpu.memref_slice %dma_wait3A_60[%dma_wait3A_61, %dma_wait3A_62] : memref<10240x32xbf16, #tpu.memory_space<hbm>> -> memref<10240x32xbf16, #tpu.memory_space<hbm>>
    tpu.wait_indirect_dma semaphore(%arg22 : memref<!tpu.dma_semaphore, #tpu.memory_space<semaphore_mem>>) src(%dma_wait3A_63 : memref<10240x32xbf16, #tpu.memory_space<hbm>>) dst(%arg14 : memref<1000x32xbf16, #tpu.memory_space<vmem>>)
    %dma_start3A_64 = arith.constant 9 : i32
    %dma_start3A_65 = arith.constant 0 : i32
    %dma_start3A_66 = tpu.memref_slice %arg11[%dma_start3A_64, %dma_start3A_65] : memref<10x1000xi32, #tpu.memory_space<vmem>> -> memref<1x1000xi32, #tpu.memory_space<vmem>>
    %dma_start3A_67 = tpu.memref_squeeze %dma_start3A_66 : memref<1x1000xi32, #tpu.memory_space<vmem>> -> memref<1000xi32, #tpu.memory_space<vmem>>
    %dma_start3A_68 = arith.constant 0 : i32
    %dma_start3A_69 = arith.constant 0 : i32
    %dma_start3A_70 = tpu.memref_slice %arg10[%dma_start3A_68, %dma_start3A_69] : memref<10240x32xbf16, #tpu.memory_space<vmem_shared>> -> memref<10240x32xbf16, #tpu.memory_space<vmem_shared>>
    tpu.enqueue_indirect_dma source(%arg14 : memref<1000x32xbf16, #tpu.memory_space<vmem>>) target(%dma_start3A_70 : memref<10240x32xbf16, #tpu.memory_space<vmem_shared>>) offsets(%dma_start3A_67 : memref<1000xi32, #tpu.memory_space<vmem>>) semaphore(%arg24 : memref<!tpu.dma_semaphore, #tpu.memory_space<semaphore_mem>>) {add = true}
    %dma_wait3A_71 = arith.constant 0 : i32
    %dma_wait3A_72 = arith.constant 0 : i32
    %dma_wait3A_73 = tpu.memref_slice %arg11[%dma_wait3A_71, %dma_wait3A_72] : memref<10x1000xi32, #tpu.memory_space<vmem>> -> memref<1x1000xi32, #tpu.memory_space<vmem>>
    %dma_wait3A_74 = tpu.memref_squeeze %dma_wait3A_73 : memref<1x1000xi32, #tpu.memory_space<vmem>> -> memref<1000xi32, #tpu.memory_space<vmem>>
    %dma_wait3A_75 = arith.constant 0 : i32
    %dma_wait3A_76 = arith.constant 0 : i32
    %dma_wait3A_77 = tpu.memref_slice %arg10[%dma_wait3A_75, %dma_wait3A_76] : memref<10240x32xbf16, #tpu.memory_space<vmem_shared>> -> memref<10240x32xbf16, #tpu.memory_space<vmem_shared>>
    tpu.wait_indirect_dma semaphore(%arg23 : memref<!tpu.dma_semaphore, #tpu.memory_space<semaphore_mem>>) src(%arg13 : memref<1000x32xbf16, #tpu.memory_space<vmem>>) dst(%dma_wait3A_77 : memref<10240x32xbf16, #tpu.memory_space<vmem_shared>>)
    %dma_wait3A_78 = arith.constant 0 : i32
    %dma_wait3A_79 = arith.constant 0 : i32
    %dma_wait3A_80 = tpu.memref_slice %arg11[%dma_wait3A_78, %dma_wait3A_79] : memref<10x1000xi32, #tpu.memory_space<vmem>> -> memref<1x1000xi32, #tpu.memory_space<vmem>>
    %dma_wait3A_81 = tpu.memref_squeeze %dma_wait3A_80 : memref<1x1000xi32, #tpu.memory_space<vmem>> -> memref<1000xi32, #tpu.memory_space<vmem>>
    %dma_wait3A_82 = arith.constant 0 : i32
    %dma_wait3A_83 = arith.constant 0 : i32
    %dma_wait3A_84 = tpu.memref_slice %arg10[%dma_wait3A_82, %dma_wait3A_83] : memref<10240x32xbf16, #tpu.memory_space<vmem_shared>> -> memref<10240x32xbf16, #tpu.memory_space<vmem_shared>>
    tpu.wait_indirect_dma semaphore(%arg24 : memref<!tpu.dma_semaphore, #tpu.memory_space<semaphore_mem>>) src(%arg14 : memref<1000x32xbf16, #tpu.memory_space<vmem>>) dst(%dma_wait3A_84 : memref<10240x32xbf16, #tpu.memory_space<vmem_shared>>)
    %barrier3A_85 = arith.constant 0 : index
    tpu.barrier barrier_id(%barrier3A_85)
    %mul3A_86 = arith.constant 640 : i32
    %mul3A_87 = arith.muli %arg1, %mul3A_86 : i32
    "tpu.region"() ({
      %run_scoped3A_154 = tpu.sem_alloc : memref<!tpu.dma_semaphore, #tpu.memory_space<semaphore_mem>>
      %dma_start3A_155 = arith.constant 0 : i32
      %dma_start3A_156 = tpu.memref_slice %arg10[%mul3A_87, %dma_start3A_155] : memref<10240x32xbf16, #tpu.memory_space<vmem_shared>> -> memref<640x32xbf16, #tpu.memory_space<vmem_shared>>
      %dma_start3A_157 = arith.constant 0 : i32
      %dma_start3A_158 = tpu.memref_slice %arg10[%mul3A_87, %dma_start3A_157] : memref<10240x32xbf16, #tpu.memory_space<vmem_shared>> -> memref<640x32xbf16, #tpu.memory_space<vmem_shared>>
      tpu.enqueue_dma source(%dma_start3A_158 : memref<640x32xbf16, #tpu.memory_space<vmem_shared>>) target(%arg15 : memref<640x32xbf16, #tpu.memory_space<vmem>>) target_semaphore(%run_scoped3A_154 : memref<!tpu.dma_semaphore, #tpu.memory_space<semaphore_mem>>)
      %dma_wait3A_159 = arith.constant 0 : i32
      %dma_wait3A_160 = tpu.memref_slice %arg10[%mul3A_87, %dma_wait3A_159] : memref<10240x32xbf16, #tpu.memory_space<vmem_shared>> -> memref<640x32xbf16, #tpu.memory_space<vmem_shared>>
      %dma_wait3A_161 = arith.constant 0 : i32
      %dma_wait3A_162 = tpu.memref_slice %arg10[%mul3A_87, %dma_wait3A_161] : memref<10240x32xbf16, #tpu.memory_space<vmem_shared>> -> memref<640x32xbf16, #tpu.memory_space<vmem_shared>>
      tpu.wait_dma2 semaphore(%run_scoped3A_154 : memref<!tpu.dma_semaphore, #tpu.memory_space<semaphore_mem>>) src(%dma_wait3A_162 : memref<640x32xbf16, #tpu.memory_space<vmem_shared>>) dst(%arg15 : memref<640x32xbf16, #tpu.memory_space<vmem>>)
      tpu.yield
    }) : () -> ()
    %scan3A_88 = arith.constant 0 : i32
    %scan3A_89 = arith.constant 0 : i32
    %scan3A_90 = arith.constant 640 : i32
    %scan3A_91 = arith.addi %scan3A_89, %scan3A_90 : i32
    %scan3A_92 = arith.constant 1 : i32
    scf.for %scan3A_154 = %scan3A_89 to %scan3A_91 step %scan3A_92  : i32 {
      %get3A = arith.index_cast %scan3A_154 : i32 to index
      %get3A_155 = arith.constant 0 : index
      %get3A_156 = tpu.vector_load %arg15[%get3A, %get3A_155] {strides = array<i32>} : memref<640x32xbf16, #tpu.memory_space<vmem>>, vector<1x32xbf16>,
      %get3A_157 = vector.shape_cast %get3A_156 : vector<1x32xbf16> to vector<32xbf16>
      %get3A_158 = arith.index_cast %scan3A_154 : i32 to index
      %get3A_159 = arith.constant 0 : index
      %get3A_160 = tpu.vector_load %arg16[%get3A_158, %get3A_159] {strides = array<i32>} : memref<640x32xbf16, #tpu.memory_space<vmem>>, vector<1x32xbf16>,
      %get3A_161 = vector.shape_cast %get3A_160 : vector<1x32xbf16> to vector<32xbf16>
      %add3A = arith.addf %get3A_157, %get3A_161 : vector<32xbf16>
      %broadcast_in_dim3A = arith.constant 1.000000e+00 : bf16
      %broadcast_in_dim3A_162 = vector.broadcast %broadcast_in_dim3A : bf16 to vector<32xbf16>
      %gt3A = arith.constant 0.000000e+00 : bf16
      %gt3A_163 = vector.broadcast %gt3A : bf16 to vector<32xbf16>
      %gt3A_164 = arith.cmpf ogt, %add3A, %gt3A_163 : vector<32xbf16>
      %broadcast_in_dim3A_165 = arith.constant 0.000000e+00 : bf16
      %broadcast_in_dim3A_166 = vector.broadcast %broadcast_in_dim3A_165 : bf16 to vector<32xbf16>
      %select_n3A = arith.select %gt3A_164, %broadcast_in_dim3A_162, %broadcast_in_dim3A_166 : vector<32xi1>, vector<32xbf16>
      %swap3A = arith.index_cast %scan3A_154 : i32 to index
      %swap3A_167 = arith.constant 0 : index
      %swap3A_168 = tpu.vector_load %arg16[%swap3A, %swap3A_167] {strides = array<i32>} : memref<640x32xbf16, #tpu.memory_space<vmem>>, vector<1x32xbf16>,
      %swap3A_169 = vector.shape_cast %swap3A_168 : vector<1x32xbf16> to vector<32xbf16>
      %swap3A_170 = vector.shape_cast %select_n3A : vector<32xbf16> to vector<1x32xbf16>
      tpu.vector_store %arg16[%swap3A, %swap3A_167], %swap3A_170 {strides = array<i32>} : memref<640x32xbf16, #tpu.memory_space<vmem>>, vector<1x32xbf16>,
      %broadcast_in_dim3A_171 = arith.constant 0.000000e+00 : bf16
      %broadcast_in_dim3A_172 = vector.broadcast %broadcast_in_dim3A_171 : bf16 to vector<32xbf16>
      %swap3A_173 = arith.index_cast %scan3A_154 : i32 to index
      %swap3A_174 = arith.constant 0 : index
      %swap3A_175 = tpu.vector_load %arg15[%swap3A_173, %swap3A_174] {strides = array<i32>} : memref<640x32xbf16, #tpu.memory_space<vmem>>, vector<1x32xbf16>,
      %swap3A_176 = vector.shape_cast %swap3A_175 : vector<1x32xbf16> to vector<32xbf16>
      %swap3A_177 = vector.shape_cast %broadcast_in_dim3A_172 : vector<32xbf16> to vector<1x32xbf16>
      tpu.vector_store %arg15[%swap3A_173, %swap3A_174], %swap3A_177 {strides = array<i32>} : memref<640x32xbf16, #tpu.memory_space<vmem>>, vector<1x32xbf16>,
    }
    %scan3A_93 = arith.constant 640 : i32
    "tpu.region"() ({
      %run_scoped3A_154 = tpu.sem_alloc : memref<!tpu.dma_semaphore, #tpu.memory_space<semaphore_mem>>
      %dma_start3A_155 = arith.constant 0 : i32
      %dma_start3A_156 = tpu.memref_slice %arg7[%arg0, %mul3A_87, %dma_start3A_155] : memref<2x10240x32xbf16, #tpu.memory_space<hbm>> -> memref<1x640x32xbf16, #tpu.memory_space<hbm>>
      %dma_start3A_157 = tpu.memref_squeeze %dma_start3A_156 : memref<1x640x32xbf16, #tpu.memory_space<hbm>> -> memref<640x32xbf16, #tpu.memory_space<hbm>>
      %dma_start3A_158 = arith.constant 0 : i32
      %dma_start3A_159 = tpu.memref_slice %arg7[%arg0, %mul3A_87, %dma_start3A_158] : memref<2x10240x32xbf16, #tpu.memory_space<hbm>> -> memref<1x640x32xbf16, #tpu.memory_space<hbm>>
      %dma_start3A_160 = tpu.memref_squeeze %dma_start3A_159 : memref<1x640x32xbf16, #tpu.memory_space<hbm>> -> memref<640x32xbf16, #tpu.memory_space<hbm>>
      tpu.enqueue_dma source(%arg16 : memref<640x32xbf16, #tpu.memory_space<vmem>>) target(%dma_start3A_160 : memref<640x32xbf16, #tpu.memory_space<hbm>>) target_semaphore(%run_scoped3A_154 : memref<!tpu.dma_semaphore, #tpu.memory_space<semaphore_mem>>)
      %dma_wait3A_161 = arith.constant 0 : i32
      %dma_wait3A_162 = tpu.memref_slice %arg7[%arg0, %mul3A_87, %dma_wait3A_161] : memref<2x10240x32xbf16, #tpu.memory_space<hbm>> -> memref<1x640x32xbf16, #tpu.memory_space<hbm>>
      %dma_wait3A_163 = tpu.memref_squeeze %dma_wait3A_162 : memref<1x640x32xbf16, #tpu.memory_space<hbm>> -> memref<640x32xbf16, #tpu.memory_space<hbm>>
      %dma_wait3A_164 = arith.constant 0 : i32
      %dma_wait3A_165 = tpu.memref_slice %arg7[%arg0, %mul3A_87, %dma_wait3A_164] : memref<2x10240x32xbf16, #tpu.memory_space<hbm>> -> memref<1x640x32xbf16, #tpu.memory_space<hbm>>
      %dma_wait3A_166 = tpu.memref_squeeze %dma_wait3A_165 : memref<1x640x32xbf16, #tpu.memory_space<hbm>> -> memref<640x32xbf16, #tpu.memory_space<hbm>>
      tpu.wait_dma2 semaphore(%run_scoped3A_154 : memref<!tpu.dma_semaphore, #tpu.memory_space<semaphore_mem>>) src(%arg16 : memref<640x32xbf16, #tpu.memory_space<vmem>>) dst(%dma_wait3A_166 : memref<640x32xbf16, #tpu.memory_space<hbm>>)
      tpu.yield
    }) : () -> ()
    "tpu.region"() ({
      %run_scoped3A_154 = tpu.sem_alloc : memref<!tpu.dma_semaphore, #tpu.memory_space<semaphore_mem>>
      %dma_start3A_155 = arith.constant 0 : i32
      %dma_start3A_156 = tpu.memref_slice %arg10[%mul3A_87, %dma_start3A_155] : memref<10240x32xbf16, #tpu.memory_space<vmem_shared>> -> memref<640x32xbf16, #tpu.memory_space<vmem_shared>>
      %dma_start3A_157 = arith.constant 0 : i32
      %dma_start3A_158 = tpu.memref_slice %arg10[%mul3A_87, %dma_start3A_157] : memref<10240x32xbf16, #tpu.memory_space<vmem_shared>> -> memref<640x32xbf16, #tpu.memory_space<vmem_shared>>
      tpu.enqueue_dma source(%arg15 : memref<640x32xbf16, #tpu.memory_space<vmem>>) target(%dma_start3A_158 : memref<640x32xbf16, #tpu.memory_space<vmem_shared>>) target_semaphore(%run_scoped3A_154 : memref<!tpu.dma_semaphore, #tpu.memory_space<semaphore_mem>>)
      %dma_wait3A_159 = arith.constant 0 : i32
      %dma_wait3A_160 = tpu.memref_slice %arg10[%mul3A_87, %dma_wait3A_159] : memref<10240x32xbf16, #tpu.memory_space<vmem_shared>> -> memref<640x32xbf16, #tpu.memory_space<vmem_shared>>
      %dma_wait3A_161 = arith.constant 0 : i32
      %dma_wait3A_162 = tpu.memref_slice %arg10[%mul3A_87, %dma_wait3A_161] : memref<10240x32xbf16, #tpu.memory_space<vmem_shared>> -> memref<640x32xbf16, #tpu.memory_space<vmem_shared>>
      tpu.wait_dma2 semaphore(%run_scoped3A_154 : memref<!tpu.dma_semaphore, #tpu.memory_space<semaphore_mem>>) src(%arg15 : memref<640x32xbf16, #tpu.memory_space<vmem>>) dst(%dma_wait3A_162 : memref<640x32xbf16, #tpu.memory_space<vmem_shared>>)
      tpu.yield
    }) : () -> ()
    %barrier3A_94 = arith.constant 0 : index
    tpu.barrier barrier_id(%barrier3A_94)
    %dma_start3A_95 = arith.constant 0 : i32
    %dma_start3A_96 = arith.constant 0 : i32
    %dma_start3A_97 = tpu.memref_slice %arg12[%dma_start3A_95, %dma_start3A_96] : memref<10x1000xi32, #tpu.memory_space<vmem>> -> memref<1x1000xi32, #tpu.memory_space<vmem>>
    %dma_start3A_98 = tpu.memref_squeeze %dma_start3A_97 : memref<1x1000xi32, #tpu.memory_space<vmem>> -> memref<1000xi32, #tpu.memory_space<vmem>>
    %dma_start3A_99 = arith.constant 0 : i32
    %dma_start3A_100 = arith.constant 0 : i32
    %dma_start3A_101 = tpu.memref_slice %arg7[%arg0, %dma_start3A_99, %dma_start3A_100] : memref<2x10240x32xbf16, #tpu.memory_space<hbm>> -> memref<1x10240x32xbf16, #tpu.memory_space<hbm>>
    %dma_start3A_102 = tpu.memref_squeeze %dma_start3A_101 : memref<1x10240x32xbf16, #tpu.memory_space<hbm>> -> memref<10240x32xbf16, #tpu.memory_space<hbm>>
    %dma_start3A_103 = arith.constant 0 : i32
    %dma_start3A_104 = arith.constant 0 : i32
    %dma_start3A_105 = tpu.memref_slice %dma_start3A_102[%dma_start3A_103, %dma_start3A_104] : memref<10240x32xbf16, #tpu.memory_space<hbm>> -> memref<10240x32xbf16, #tpu.memory_space<hbm>>
    tpu.enqueue_indirect_dma source(%dma_start3A_105 : memref<10240x32xbf16, #tpu.memory_space<hbm>>) target(%arg13 : memref<1000x32xbf16, #tpu.memory_space<vmem>>) offsets(%dma_start3A_98 : memref<1000xi32, #tpu.memory_space<vmem>>) semaphore(%arg21 : memref<!tpu.dma_semaphore, #tpu.memory_space<semaphore_mem>>)
    %scan3A_106 = arith.constant 0 : i32
    %scan3A_107 = arith.constant 1 : i32
    %scan3A_108 = arith.constant 9 : i32
    %scan3A_109 = arith.addi %scan3A_107, %scan3A_108 : i32
    %scan3A_110 = arith.constant 1 : i32
    scf.for %scan3A_154 = %scan3A_107 to %scan3A_109 step %scan3A_110  : i32 {
      %jit3A = arith.constant 2 : i32
      %eq3A_155 = arith.constant 0 : i32
      %eq3A_156 = arith.cmpi eq, %jit3A, %eq3A_155 : i32
      %jit3A_157 = arith.constant 1 : i32
      %select_n3A = arith.select %eq3A_156, %jit3A_157, %jit3A : i32
      %rem3A = arith.remsi %scan3A_154, %select_n3A : i32
      %ne3A = arith.constant 0 : i32
      %ne3A_158 = arith.cmpi ne, %rem3A, %ne3A : i32
      %lt3A = arith.constant 0 : i32
      %lt3A_159 = arith.cmpi slt, %rem3A, %lt3A : i32
      %lt3A_160 = arith.constant 0 : i32
      %lt3A_161 = arith.cmpi slt, %select_n3A, %lt3A_160 : i32
      %ne3A_162 = arith.xori %lt3A_159, %lt3A_161 : i1
      %and3A_163 = arith.andi %ne3A_162, %ne3A_158 : i1
      %add3A = arith.addi %rem3A, %select_n3A : i32
      %select_n3A_164 = arith.select %and3A_163, %add3A, %rem3A : i32
      %eq3A_165 = arith.constant 1 : i32
      %eq3A_166 = arith.cmpi eq, %select_n3A_164, %eq3A_165 : i32
      %convert_element_type3A_167 = arith.extui %eq3A_166 : i1 to i32
      %cond3A_168 = arith.constant 0 : i32
      %cond3A_169 = arith.cmpi ne, %convert_element_type3A_167, %cond3A_168 : i32
      scf.if %cond3A_169 {
        %gt3A = arith.constant 1 : i32
        %gt3A_191 = arith.cmpi sgt, %scan3A_154, %gt3A : i32
        %convert_element_type3A_192 = arith.extui %gt3A_191 : i1 to i32
        %cond3A_193 = arith.constant 0 : i32
        %cond3A_194 = arith.cmpi ne, %convert_element_type3A_192, %cond3A_193 : i32
        scf.if %cond3A_194 {
          %dma_wait3A_222 = arith.constant 0 : i32
          %dma_wait3A_223 = arith.constant 0 : i32
          %dma_wait3A_224 = tpu.memref_slice %arg11[%dma_wait3A_222, %dma_wait3A_223] : memref<10x1000xi32, #tpu.memory_space<vmem>> -> memref<1x1000xi32, #tpu.memory_space<vmem>>
          %dma_wait3A_225 = tpu.memref_squeeze %dma_wait3A_224 : memref<1x1000xi32, #tpu.memory_space<vmem>> -> memref<1000xi32, #tpu.memory_space<vmem>>
          %dma_wait3A_226 = arith.constant 0 : i32
          %dma_wait3A_227 = arith.constant 0 : i32
          %dma_wait3A_228 = tpu.memref_slice %arg10[%dma_wait3A_226, %dma_wait3A_227] : memref<10240x32xbf16, #tpu.memory_space<vmem_shared>> -> memref<10240x32xbf16, #tpu.memory_space<vmem_shared>>
          tpu.wait_indirect_dma semaphore(%arg24 : memref<!tpu.dma_semaphore, #tpu.memory_space<semaphore_mem>>) src(%arg14 : memref<1000x32xbf16, #tpu.memory_space<vmem>>) dst(%dma_wait3A_228 : memref<10240x32xbf16, #tpu.memory_space<vmem_shared>>)
        } else {
        }
        %dma_start3A_195 = arith.constant 0 : i32
        %dma_start3A_196 = tpu.memref_slice %arg12[%scan3A_154, %dma_start3A_195] : memref<10x1000xi32, #tpu.memory_space<vmem>> -> memref<1x1000xi32, #tpu.memory_space<vmem>>
        %dma_start3A_197 = tpu.memref_squeeze %dma_start3A_196 : memref<1x1000xi32, #tpu.memory_space<vmem>> -> memref<1000xi32, #tpu.memory_space<vmem>>
        %dma_start3A_198 = arith.constant 0 : i32
        %dma_start3A_199 = arith.constant 0 : i32
        %dma_start3A_200 = tpu.memref_slice %arg7[%arg0, %dma_start3A_198, %dma_start3A_199] : memref<2x10240x32xbf16, #tpu.memory_space<hbm>> -> memref<1x10240x32xbf16, #tpu.memory_space<hbm>>
        %dma_start3A_201 = tpu.memref_squeeze %dma_start3A_200 : memref<1x10240x32xbf16, #tpu.memory_space<hbm>> -> memref<10240x32xbf16, #tpu.memory_space<hbm>>
        %dma_start3A_202 = arith.constant 0 : i32
        %dma_start3A_203 = arith.constant 0 : i32
        %dma_start3A_204 = tpu.memref_slice %dma_start3A_201[%dma_start3A_202, %dma_start3A_203] : memref<10240x32xbf16, #tpu.memory_space<hbm>> -> memref<10240x32xbf16, #tpu.memory_space<hbm>>
        tpu.enqueue_indirect_dma source(%dma_start3A_204 : memref<10240x32xbf16, #tpu.memory_space<hbm>>) target(%arg14 : memref<1000x32xbf16, #tpu.memory_space<vmem>>) offsets(%dma_start3A_197 : memref<1000xi32, #tpu.memory_space<vmem>>) semaphore(%arg22 : memref<!tpu.dma_semaphore, #tpu.memory_space<semaphore_mem>>)
        %sub3A = arith.constant 1 : i32
        %sub3A_205 = arith.subi %scan3A_154, %sub3A : i32
        %dma_wait3A_206 = arith.constant 0 : i32
        %dma_wait3A_207 = tpu.memref_slice %arg12[%sub3A_205, %dma_wait3A_206] : memref<10x1000xi32, #tpu.memory_space<vmem>> -> memref<1x1000xi32, #tpu.memory_space<vmem>>
        %dma_wait3A_208 = tpu.memref_squeeze %dma_wait3A_207 : memref<1x1000xi32, #tpu.memory_space<vmem>> -> memref<1000xi32, #tpu.memory_space<vmem>>
        %dma_wait3A_209 = arith.constant 0 : i32
        %dma_wait3A_210 = arith.constant 0 : i32
        %dma_wait3A_211 = tpu.memref_slice %arg7[%arg0, %dma_wait3A_209, %dma_wait3A_210] : memref<2x10240x32xbf16, #tpu.memory_space<hbm>> -> memref<1x10240x32xbf16, #tpu.memory_space<hbm>>
        %dma_wait3A_212 = tpu.memref_squeeze %dma_wait3A_211 : memref<1x10240x32xbf16, #tpu.memory_space<hbm>> -> memref<10240x32xbf16, #tpu.memory_space<hbm>>
        %dma_wait3A_213 = arith.constant 0 : i32
        %dma_wait3A_214 = arith.constant 0 : i32
        %dma_wait3A_215 = tpu.memref_slice %dma_wait3A_212[%dma_wait3A_213, %dma_wait3A_214] : memref<10240x32xbf16, #tpu.memory_space<hbm>> -> memref<10240x32xbf16, #tpu.memory_space<hbm>>
        tpu.wait_indirect_dma semaphore(%arg21 : memref<!tpu.dma_semaphore, #tpu.memory_space<semaphore_mem>>) src(%dma_wait3A_215 : memref<10240x32xbf16, #tpu.memory_space<hbm>>) dst(%arg13 : memref<1000x32xbf16, #tpu.memory_space<vmem>>)
        %dma_start3A_216 = arith.constant 0 : i32
        %dma_start3A_217 = tpu.memref_slice %arg11[%sub3A_205, %dma_start3A_216] : memref<10x1000xi32, #tpu.memory_space<vmem>> -> memref<1x1000xi32, #tpu.memory_space<vmem>>
        %dma_start3A_218 = tpu.memref_squeeze %dma_start3A_217 : memref<1x1000xi32, #tpu.memory_space<vmem>> -> memref<1000xi32, #tpu.memory_space<vmem>>
        %dma_start3A_219 = arith.constant 0 : i32
        %dma_start3A_220 = arith.constant 0 : i32
        %dma_start3A_221 = tpu.memref_slice %arg10[%dma_start3A_219, %dma_start3A_220] : memref<10240x32xbf16, #tpu.memory_space<vmem_shared>> -> memref<10240x32xbf16, #tpu.memory_space<vmem_shared>>
        tpu.enqueue_indirect_dma source(%arg13 : memref<1000x32xbf16, #tpu.memory_space<vmem>>) target(%dma_start3A_221 : memref<10240x32xbf16, #tpu.memory_space<vmem_shared>>) offsets(%dma_start3A_218 : memref<1000xi32, #tpu.memory_space<vmem>>) semaphore(%arg23 : memref<!tpu.dma_semaphore, #tpu.memory_space<semaphore_mem>>) {add = true}
      } else {
      }
      %jit3A_170 = arith.constant 2 : i32
      %eq3A_171 = arith.constant 0 : i32
      %eq3A_172 = arith.cmpi eq, %jit3A_170, %eq3A_171 : i32
      %jit3A_173 = arith.constant 1 : i32
      %select_n3A_174 = arith.select %eq3A_172, %jit3A_173, %jit3A_170 : i32
      %rem3A_175 = arith.remsi %scan3A_154, %select_n3A_174 : i32
      %ne3A_176 = arith.constant 0 : i32
      %ne3A_177 = arith.cmpi ne, %rem3A_175, %ne3A_176 : i32
      %lt3A_178 = arith.constant 0 : i32
      %lt3A_179 = arith.cmpi slt, %rem3A_175, %lt3A_178 : i32
      %lt3A_180 = arith.constant 0 : i32
      %lt3A_181 = arith.cmpi slt, %select_n3A_174, %lt3A_180 : i32
      %ne3A_182 = arith.xori %lt3A_179, %lt3A_181 : i1
      %and3A_183 = arith.andi %ne3A_182, %ne3A_177 : i1
      %add3A_184 = arith.addi %rem3A_175, %select_n3A_174 : i32
      %select_n3A_185 = arith.select %and3A_183, %add3A_184, %rem3A_175 : i32
      %eq3A_186 = arith.constant 0 : i32
      %eq3A_187 = arith.cmpi eq, %select_n3A_185, %eq3A_186 : i32
      %convert_element_type3A_188 = arith.extui %eq3A_187 : i1 to i32
      %cond3A_189 = arith.constant 0 : i32
      %cond3A_190 = arith.cmpi ne, %convert_element_type3A_188, %cond3A_189 : i32
      scf.if %cond3A_190 {
        %dma_wait3A_191 = arith.constant 0 : i32
        %dma_wait3A_192 = arith.constant 0 : i32
        %dma_wait3A_193 = tpu.memref_slice %arg11[%dma_wait3A_191, %dma_wait3A_192] : memref<10x1000xi32, #tpu.memory_space<vmem>> -> memref<1x1000xi32, #tpu.memory_space<vmem>>
        %dma_wait3A_194 = tpu.memref_squeeze %dma_wait3A_193 : memref<1x1000xi32, #tpu.memory_space<vmem>> -> memref<1000xi32, #tpu.memory_space<vmem>>
        %dma_wait3A_195 = arith.constant 0 : i32
        %dma_wait3A_196 = arith.constant 0 : i32
        %dma_wait3A_197 = tpu.memref_slice %arg10[%dma_wait3A_195, %dma_wait3A_196] : memref<10240x32xbf16, #tpu.memory_space<vmem_shared>> -> memref<10240x32xbf16, #tpu.memory_space<vmem_shared>>
        tpu.wait_indirect_dma semaphore(%arg23 : memref<!tpu.dma_semaphore, #tpu.memory_space<semaphore_mem>>) src(%arg13 : memref<1000x32xbf16, #tpu.memory_space<vmem>>) dst(%dma_wait3A_197 : memref<10240x32xbf16, #tpu.memory_space<vmem_shared>>)
        %dma_start3A_198 = arith.constant 0 : i32
        %dma_start3A_199 = tpu.memref_slice %arg12[%scan3A_154, %dma_start3A_198] : memref<10x1000xi32, #tpu.memory_space<vmem>> -> memref<1x1000xi32, #tpu.memory_space<vmem>>
        %dma_start3A_200 = tpu.memref_squeeze %dma_start3A_199 : memref<1x1000xi32, #tpu.memory_space<vmem>> -> memref<1000xi32, #tpu.memory_space<vmem>>
        %dma_start3A_201 = arith.constant 0 : i32
        %dma_start3A_202 = arith.constant 0 : i32
        %dma_start3A_203 = tpu.memref_slice %arg7[%arg0, %dma_start3A_201, %dma_start3A_202] : memref<2x10240x32xbf16, #tpu.memory_space<hbm>> -> memref<1x10240x32xbf16, #tpu.memory_space<hbm>>
        %dma_start3A_204 = tpu.memref_squeeze %dma_start3A_203 : memref<1x10240x32xbf16, #tpu.memory_space<hbm>> -> memref<10240x32xbf16, #tpu.memory_space<hbm>>
        %dma_start3A_205 = arith.constant 0 : i32
        %dma_start3A_206 = arith.constant 0 : i32
        %dma_start3A_207 = tpu.memref_slice %dma_start3A_204[%dma_start3A_205, %dma_start3A_206] : memref<10240x32xbf16, #tpu.memory_space<hbm>> -> memref<10240x32xbf16, #tpu.memory_space<hbm>>
        tpu.enqueue_indirect_dma source(%dma_start3A_207 : memref<10240x32xbf16, #tpu.memory_space<hbm>>) target(%arg13 : memref<1000x32xbf16, #tpu.memory_space<vmem>>) offsets(%dma_start3A_200 : memref<1000xi32, #tpu.memory_space<vmem>>) semaphore(%arg21 : memref<!tpu.dma_semaphore, #tpu.memory_space<semaphore_mem>>)
        %sub3A = arith.constant 1 : i32
        %sub3A_208 = arith.subi %scan3A_154, %sub3A : i32
        %dma_wait3A_209 = arith.constant 0 : i32
        %dma_wait3A_210 = tpu.memref_slice %arg12[%sub3A_208, %dma_wait3A_209] : memref<10x1000xi32, #tpu.memory_space<vmem>> -> memref<1x1000xi32, #tpu.memory_space<vmem>>
        %dma_wait3A_211 = tpu.memref_squeeze %dma_wait3A_210 : memref<1x1000xi32, #tpu.memory_space<vmem>> -> memref<1000xi32, #tpu.memory_space<vmem>>
        %dma_wait3A_212 = arith.constant 0 : i32
        %dma_wait3A_213 = arith.constant 0 : i32
        %dma_wait3A_214 = tpu.memref_slice %arg7[%arg0, %dma_wait3A_212, %dma_wait3A_213] : memref<2x10240x32xbf16, #tpu.memory_space<hbm>> -> memref<1x10240x32xbf16, #tpu.memory_space<hbm>>
        %dma_wait3A_215 = tpu.memref_squeeze %dma_wait3A_214 : memref<1x10240x32xbf16, #tpu.memory_space<hbm>> -> memref<10240x32xbf16, #tpu.memory_space<hbm>>
        %dma_wait3A_216 = arith.constant 0 : i32
        %dma_wait3A_217 = arith.constant 0 : i32
        %dma_wait3A_218 = tpu.memref_slice %dma_wait3A_215[%dma_wait3A_216, %dma_wait3A_217] : memref<10240x32xbf16, #tpu.memory_space<hbm>> -> memref<10240x32xbf16, #tpu.memory_space<hbm>>
        tpu.wait_indirect_dma semaphore(%arg22 : memref<!tpu.dma_semaphore, #tpu.memory_space<semaphore_mem>>) src(%dma_wait3A_218 : memref<10240x32xbf16, #tpu.memory_space<hbm>>) dst(%arg14 : memref<1000x32xbf16, #tpu.memory_space<vmem>>)
        %dma_start3A_219 = arith.constant 0 : i32
        %dma_start3A_220 = tpu.memref_slice %arg11[%sub3A_208, %dma_start3A_219] : memref<10x1000xi32, #tpu.memory_space<vmem>> -> memref<1x1000xi32, #tpu.memory_space<vmem>>
        %dma_start3A_221 = tpu.memref_squeeze %dma_start3A_220 : memref<1x1000xi32, #tpu.memory_space<vmem>> -> memref<1000xi32, #tpu.memory_space<vmem>>
        %dma_start3A_222 = arith.constant 0 : i32
        %dma_start3A_223 = arith.constant 0 : i32
        %dma_start3A_224 = tpu.memref_slice %arg10[%dma_start3A_222, %dma_start3A_223] : memref<10240x32xbf16, #tpu.memory_space<vmem_shared>> -> memref<10240x32xbf16, #tpu.memory_space<vmem_shared>>
        tpu.enqueue_indirect_dma source(%arg14 : memref<1000x32xbf16, #tpu.memory_space<vmem>>) target(%dma_start3A_224 : memref<10240x32xbf16, #tpu.memory_space<vmem_shared>>) offsets(%dma_start3A_221 : memref<1000xi32, #tpu.memory_space<vmem>>) semaphore(%arg24 : memref<!tpu.dma_semaphore, #tpu.memory_space<semaphore_mem>>) {add = true}
      } else {
      }
    }
    %scan3A_111 = arith.constant 9 : i32
    %dma_wait3A_112 = arith.constant 9 : i32
    %dma_wait3A_113 = arith.constant 0 : i32
    %dma_wait3A_114 = tpu.memref_slice %arg12[%dma_wait3A_112, %dma_wait3A_113] : memref<10x1000xi32, #tpu.memory_space<vmem>> -> memref<1x1000xi32, #tpu.memory_space<vmem>>
    %dma_wait3A_115 = tpu.memref_squeeze %dma_wait3A_114 : memref<1x1000xi32, #tpu.memory_space<vmem>> -> memref<1000xi32, #tpu.memory_space<vmem>>
    %dma_wait3A_116 = arith.constant 0 : i32
    %dma_wait3A_117 = arith.constant 0 : i32
    %dma_wait3A_118 = tpu.memref_slice %arg7[%arg0, %dma_wait3A_116, %dma_wait3A_117] : memref<2x10240x32xbf16, #tpu.memory_space<hbm>> -> memref<1x10240x32xbf16, #tpu.memory_space<hbm>>
    %dma_wait3A_119 = tpu.memref_squeeze %dma_wait3A_118 : memref<1x10240x32xbf16, #tpu.memory_space<hbm>> -> memref<10240x32xbf16, #tpu.memory_space<hbm>>
    %dma_wait3A_120 = arith.constant 0 : i32
    %dma_wait3A_121 = arith.constant 0 : i32
    %dma_wait3A_122 = tpu.memref_slice %dma_wait3A_119[%dma_wait3A_120, %dma_wait3A_121] : memref<10240x32xbf16, #tpu.memory_space<hbm>> -> memref<10240x32xbf16, #tpu.memory_space<hbm>>
    tpu.wait_indirect_dma semaphore(%arg22 : memref<!tpu.dma_semaphore, #tpu.memory_space<semaphore_mem>>) src(%dma_wait3A_122 : memref<10240x32xbf16, #tpu.memory_space<hbm>>) dst(%arg14 : memref<1000x32xbf16, #tpu.memory_space<vmem>>)
    %dma_start3A_123 = arith.constant 9 : i32
    %dma_start3A_124 = arith.constant 0 : i32
    %dma_start3A_125 = tpu.memref_slice %arg11[%dma_start3A_123, %dma_start3A_124] : memref<10x1000xi32, #tpu.memory_space<vmem>> -> memref<1x1000xi32, #tpu.memory_space<vmem>>
    %dma_start3A_126 = tpu.memref_squeeze %dma_start3A_125 : memref<1x1000xi32, #tpu.memory_space<vmem>> -> memref<1000xi32, #tpu.memory_space<vmem>>
    %dma_start3A_127 = arith.constant 0 : i32
    %dma_start3A_128 = arith.constant 0 : i32
    %dma_start3A_129 = tpu.memref_slice %arg10[%dma_start3A_127, %dma_start3A_128] : memref<10240x32xbf16, #tpu.memory_space<vmem_shared>> -> memref<10240x32xbf16, #tpu.memory_space<vmem_shared>>
    tpu.enqueue_indirect_dma source(%arg14 : memref<1000x32xbf16, #tpu.memory_space<vmem>>) target(%dma_start3A_129 : memref<10240x32xbf16, #tpu.memory_space<vmem_shared>>) offsets(%dma_start3A_126 : memref<1000xi32, #tpu.memory_space<vmem>>) semaphore(%arg24 : memref<!tpu.dma_semaphore, #tpu.memory_space<semaphore_mem>>) {add = true}
    %dma_wait3A_130 = arith.constant 0 : i32
    %dma_wait3A_131 = arith.constant 0 : i32
    %dma_wait3A_132 = tpu.memref_slice %arg11[%dma_wait3A_130, %dma_wait3A_131] : memref<10x1000xi32, #tpu.memory_space<vmem>> -> memref<1x1000xi32, #tpu.memory_space<vmem>>
    %dma_wait3A_133 = tpu.memref_squeeze %dma_wait3A_132 : memref<1x1000xi32, #tpu.memory_space<vmem>> -> memref<1000xi32, #tpu.memory_space<vmem>>
    %dma_wait3A_134 = arith.constant 0 : i32
    %dma_wait3A_135 = arith.constant 0 : i32
    %dma_wait3A_136 = tpu.memref_slice %arg10[%dma_wait3A_134, %dma_wait3A_135] : memref<10240x32xbf16, #tpu.memory_space<vmem_shared>> -> memref<10240x32xbf16, #tpu.memory_space<vmem_shared>>
    tpu.wait_indirect_dma semaphore(%arg23 : memref<!tpu.dma_semaphore, #tpu.memory_space<semaphore_mem>>) src(%arg13 : memref<1000x32xbf16, #tpu.memory_space<vmem>>) dst(%dma_wait3A_136 : memref<10240x32xbf16, #tpu.memory_space<vmem_shared>>)
    %dma_wait3A_137 = arith.constant 0 : i32
    %dma_wait3A_138 = arith.constant 0 : i32
    %dma_wait3A_139 = tpu.memref_slice %arg11[%dma_wait3A_137, %dma_wait3A_138] : memref<10x1000xi32, #tpu.memory_space<vmem>> -> memref<1x1000xi32, #tpu.memory_space<vmem>>
    %dma_wait3A_140 = tpu.memref_squeeze %dma_wait3A_139 : memref<1x1000xi32, #tpu.memory_space<vmem>> -> memref<1000xi32, #tpu.memory_space<vmem>>
    %dma_wait3A_141 = arith.constant 0 : i32
    %dma_wait3A_142 = arith.constant 0 : i32
    %dma_wait3A_143 = tpu.memref_slice %arg10[%dma_wait3A_141, %dma_wait3A_142] : memref<10240x32xbf16, #tpu.memory_space<vmem_shared>> -> memref<10240x32xbf16, #tpu.memory_space<vmem_shared>>
    tpu.wait_indirect_dma semaphore(%arg24 : memref<!tpu.dma_semaphore, #tpu.memory_space<semaphore_mem>>) src(%arg14 : memref<1000x32xbf16, #tpu.memory_space<vmem>>) dst(%dma_wait3A_143 : memref<10240x32xbf16, #tpu.memory_space<vmem_shared>>)
    %barrier3A_144 = arith.constant 0 : index
    tpu.barrier barrier_id(%barrier3A_144)
    %mul3A_145 = arith.constant 640 : i32
    %mul3A_146 = arith.muli %arg1, %mul3A_145 : i32
    "tpu.region"() ({
      %run_scoped3A_154 = tpu.sem_alloc : memref<!tpu.dma_semaphore, #tpu.memory_space<semaphore_mem>>
      %dma_start3A_155 = arith.constant 0 : i32
      %dma_start3A_156 = tpu.memref_slice %arg10[%mul3A_146, %dma_start3A_155] : memref<10240x32xbf16, #tpu.memory_space<vmem_shared>> -> memref<640x32xbf16, #tpu.memory_space<vmem_shared>>
      %dma_start3A_157 = arith.constant 0 : i32
      %dma_start3A_158 = tpu.memref_slice %arg10[%mul3A_146, %dma_start3A_157] : memref<10240x32xbf16, #tpu.memory_space<vmem_shared>> -> memref<640x32xbf16, #tpu.memory_space<vmem_shared>>
      tpu.enqueue_dma source(%dma_start3A_158 : memref<640x32xbf16, #tpu.memory_space<vmem_shared>>) target(%arg15 : memref<640x32xbf16, #tpu.memory_space<vmem>>) target_semaphore(%run_scoped3A_154 : memref<!tpu.dma_semaphore, #tpu.memory_space<semaphore_mem>>)
      %dma_wait3A_159 = arith.constant 0 : i32
      %dma_wait3A_160 = tpu.memref_slice %arg10[%mul3A_146, %dma_wait3A_159] : memref<10240x32xbf16, #tpu.memory_space<vmem_shared>> -> memref<640x32xbf16, #tpu.memory_space<vmem_shared>>
      %dma_wait3A_161 = arith.constant 0 : i32
      %dma_wait3A_162 = tpu.memref_slice %arg10[%mul3A_146, %dma_wait3A_161] : memref<10240x32xbf16, #tpu.memory_space<vmem_shared>> -> memref<640x32xbf16, #tpu.memory_space<vmem_shared>>
      tpu.wait_dma2 semaphore(%run_scoped3A_154 : memref<!tpu.dma_semaphore, #tpu.memory_space<semaphore_mem>>) src(%dma_wait3A_162 : memref<640x32xbf16, #tpu.memory_space<vmem_shared>>) dst(%arg15 : memref<640x32xbf16, #tpu.memory_space<vmem>>)
      tpu.yield
    }) : () -> ()
    %scan3A_147 = arith.constant 0 : i32
    %scan3A_148 = arith.constant 0 : i32
    %scan3A_149 = arith.constant 640 : i32
    %scan3A_150 = arith.addi %scan3A_148, %scan3A_149 : i32
    %scan3A_151 = arith.constant 1 : i32
    scf.for %scan3A_154 = %scan3A_148 to %scan3A_150 step %scan3A_151  : i32 {
      %get3A = arith.index_cast %scan3A_154 : i32 to index
      %get3A_155 = arith.constant 0 : index
      %get3A_156 = tpu.vector_load %arg15[%get3A, %get3A_155] {strides = array<i32>} : memref<640x32xbf16, #tpu.memory_space<vmem>>, vector<1x32xbf16>,
      %get3A_157 = vector.shape_cast %get3A_156 : vector<1x32xbf16> to vector<32xbf16>
      %get3A_158 = arith.index_cast %scan3A_154 : i32 to index
      %get3A_159 = arith.constant 0 : index
      %get3A_160 = tpu.vector_load %arg16[%get3A_158, %get3A_159] {strides = array<i32>} : memref<640x32xbf16, #tpu.memory_space<vmem>>, vector<1x32xbf16>,
      %get3A_161 = vector.shape_cast %get3A_160 : vector<1x32xbf16> to vector<32xbf16>
      %add3A = arith.addf %get3A_157, %get3A_161 : vector<32xbf16>
      %broadcast_in_dim3A = arith.constant 1.000000e+00 : bf16
      %broadcast_in_dim3A_162 = vector.broadcast %broadcast_in_dim3A : bf16 to vector<32xbf16>
      %gt3A = arith.constant 0.000000e+00 : bf16
      %gt3A_163 = vector.broadcast %gt3A : bf16 to vector<32xbf16>
      %gt3A_164 = arith.cmpf ogt, %add3A, %gt3A_163 : vector<32xbf16>
      %broadcast_in_dim3A_165 = arith.constant 0.000000e+00 : bf16
      %broadcast_in_dim3A_166 = vector.broadcast %broadcast_in_dim3A_165 : bf16 to vector<32xbf16>
      %select_n3A = arith.select %gt3A_164, %broadcast_in_dim3A_162, %broadcast_in_dim3A_166 : vector<32xi1>, vector<32xbf16>
      %swap3A = arith.index_cast %scan3A_154 : i32 to index
      %swap3A_167 = arith.constant 0 : index
      %swap3A_168 = tpu.vector_load %arg16[%swap3A, %swap3A_167] {strides = array<i32>} : memref<640x32xbf16, #tpu.memory_space<vmem>>, vector<1x32xbf16>,
      %swap3A_169 = vector.shape_cast %swap3A_168 : vector<1x32xbf16> to vector<32xbf16>
      %swap3A_170 = vector.shape_cast %select_n3A : vector<32xbf16> to vector<1x32xbf16>
      tpu.vector_store %arg16[%swap3A, %swap3A_167], %swap3A_170 {strides = array<i32>} : memref<640x32xbf16, #tpu.memory_space<vmem>>, vector<1x32xbf16>,
    }
    %scan3A_152 = arith.constant 640 : i32
    "tpu.region"() ({
      %run_scoped3A_154 = tpu.sem_alloc : memref<!tpu.dma_semaphore, #tpu.memory_space<semaphore_mem>>
      %dma_start3A_155 = arith.constant 0 : i32
      %dma_start3A_156 = tpu.memref_slice %arg7[%arg0, %mul3A_146, %dma_start3A_155] : memref<2x10240x32xbf16, #tpu.memory_space<hbm>> -> memref<1x640x32xbf16, #tpu.memory_space<hbm>>
      %dma_start3A_157 = tpu.memref_squeeze %dma_start3A_156 : memref<1x640x32xbf16, #tpu.memory_space<hbm>> -> memref<640x32xbf16, #tpu.memory_space<hbm>>
      %dma_start3A_158 = arith.constant 0 : i32
      %dma_start3A_159 = tpu.memref_slice %arg7[%arg0, %mul3A_146, %dma_start3A_158] : memref<2x10240x32xbf16, #tpu.memory_space<hbm>> -> memref<1x640x32xbf16, #tpu.memory_space<hbm>>
      %dma_start3A_160 = tpu.memref_squeeze %dma_start3A_159 : memref<1x640x32xbf16, #tpu.memory_space<hbm>> -> memref<640x32xbf16, #tpu.memory_space<hbm>>
      tpu.enqueue_dma source(%arg16 : memref<640x32xbf16, #tpu.memory_space<vmem>>) target(%dma_start3A_160 : memref<640x32xbf16, #tpu.memory_space<hbm>>) target_semaphore(%run_scoped3A_154 : memref<!tpu.dma_semaphore, #tpu.memory_space<semaphore_mem>>)
      %dma_wait3A_161 = arith.constant 0 : i32
      %dma_wait3A_162 = tpu.memref_slice %arg7[%arg0, %mul3A_146, %dma_wait3A_161] : memref<2x10240x32xbf16, #tpu.memory_space<hbm>> -> memref<1x640x32xbf16, #tpu.memory_space<hbm>>
      %dma_wait3A_163 = tpu.memref_squeeze %dma_wait3A_162 : memref<1x640x32xbf16, #tpu.memory_space<hbm>> -> memref<640x32xbf16, #tpu.memory_space<hbm>>
      %dma_wait3A_164 = arith.constant 0 : i32
      %dma_wait3A_165 = tpu.memref_slice %arg7[%arg0, %mul3A_146, %dma_wait3A_164] : memref<2x10240x32xbf16, #tpu.memory_space<hbm>> -> memref<1x640x32xbf16, #tpu.memory_space<hbm>>
      %dma_wait3A_166 = tpu.memref_squeeze %dma_wait3A_165 : memref<1x640x32xbf16, #tpu.memory_space<hbm>> -> memref<640x32xbf16, #tpu.memory_space<hbm>>
      tpu.wait_dma2 semaphore(%run_scoped3A_154 : memref<!tpu.dma_semaphore, #tpu.memory_space<semaphore_mem>>) src(%arg16 : memref<640x32xbf16, #tpu.memory_space<vmem>>) dst(%dma_wait3A_166 : memref<640x32xbf16, #tpu.memory_space<hbm>>)
      tpu.yield
    }) : () -> ()
    %barrier3A_153 = arith.constant 0 : index
    tpu.barrier barrier_id(%barrier3A_153)
    return
  }
}

module attributes {stable_mosaic.version = 14 : i64} {
  func.func @_tc_body(%arg0: i32, %arg1: memref<2000x128xf32, #tpu.memory_space<vmem>>, %arg2: memref<2000x16xf32, #tpu.memory_space<vmem>>, %arg3: memref<1x2000x32xbf16, #tpu.memory_space<vmem>>, %arg4: memref<1x2000x32xbf16, #tpu.memory_space<vmem>>, %arg5: memref<128x128xf32, #tpu.memory_space<vmem>>, %arg6: memref<128x128xf32, #tpu.memory_space<vmem>>, %arg7: memref<128x128xf32, #tpu.memory_space<vmem>>, %arg8: memref<16x128xf32, #tpu.memory_space<vmem>>, %arg9: memref<1x128xf32, #tpu.memory_space<vmem>>, %arg10: memref<1x128xf32, #tpu.memory_space<vmem>>, %arg11: memref<64x16xf32, #tpu.memory_space<vmem>>, %arg12: memref<64x128xf32, #tpu.memory_space<vmem>>, %arg13: memref<1x1xf32, #tpu.memory_space<vmem>>, %arg14: memref<64x256xf32, #tpu.memory_space<vmem>>) attributes {dimension_semantics = [#tpu.dimension_semantics<arbitrary>], iteration_bounds = array<i64: 5>, scalar_prefetch = 0 : i64, scratch_operands = 1 : i64, tpu.core_type = #tpu.core_type<tc>, window_params = [{transform_indices = @transform_0, window_bounds = array<i64: 2000, 128>}, {transform_indices = @transform_1, window_bounds = array<i64: 2000, 16>}, {transform_indices = @transform_2, window_bounds = array<i64: 1, 2000, 32>}, {transform_indices = @transform_3, window_bounds = array<i64: 1, 2000, 32>}, {pipeline_mode = #tpu.pipeline_mode<synchronous>, transform_indices = @transform_4, window_bounds = array<i64: 128, 128>}, {pipeline_mode = #tpu.pipeline_mode<synchronous>, transform_indices = @transform_5, window_bounds = array<i64: 128, 128>}, {pipeline_mode = #tpu.pipeline_mode<synchronous>, transform_indices = @transform_6, window_bounds = array<i64: 128, 128>}, {pipeline_mode = #tpu.pipeline_mode<synchronous>, transform_indices = @transform_7, window_bounds = array<i64: 16, 128>}, {pipeline_mode = #tpu.pipeline_mode<synchronous>, transform_indices = @transform_8, window_bounds = array<i64: 1, 128>}, {pipeline_mode = #tpu.pipeline_mode<synchronous>, transform_indices = @transform_9, window_bounds = array<i64: 1, 128>}, {pipeline_mode = #tpu.pipeline_mode<synchronous>, transform_indices = @transform_10, window_bounds = array<i64: 64, 16>}, {pipeline_mode = #tpu.pipeline_mode<synchronous>, transform_indices = @transform_11, window_bounds = array<i64: 64, 128>}, {pipeline_mode = #tpu.pipeline_mode<synchronous>, transform_indices = @transform_12, window_bounds = array<i64: 1, 1>}]} {
    %eq3A = arith.constant 0 : i32
    %eq3A_0 = arith.cmpi eq, %arg0, %eq3A : i32
    %convert_element_type3A = arith.extui %eq3A_0 : i1 to i32
    %cond3A = arith.constant 0 : i32
    %cond3A_1 = arith.cmpi ne, %convert_element_type3A, %cond3A : i32
    scf.if %cond3A_1 {
      %broadcast_in_dim3A_73 = arith.constant 0.000000e+00 : f32
      %broadcast_in_dim3A_74 = vector.broadcast %broadcast_in_dim3A_73 : f32 to vector<64x256xf32>
      %swap3A_75 = arith.constant 0 : index
      %swap3A_76 = arith.constant 0 : index
      %swap3A_77 = vector.load %arg14[%swap3A_75, %swap3A_76] : memref<64x256xf32, #tpu.memory_space<vmem>>, vector<64x256xf32>
      tpu.vector_store %arg14[%swap3A_75, %swap3A_76], %broadcast_in_dim3A_74 {strides = array<i32>} : memref<64x256xf32, #tpu.memory_space<vmem>>, vector<64x256xf32>,
    } else {
    }
    %get3A = arith.constant 0 : index
    %get3A_2 = arith.constant 0 : index
    %get3A_3 = vector.load %arg8[%get3A, %get3A_2] : memref<16x128xf32, #tpu.memory_space<vmem>>, vector<16x128xf32>
    %get3A_4 = arith.constant 0 : index
    %get3A_5 = arith.constant 0 : index
    %get3A_6 = vector.load %arg6[%get3A_4, %get3A_5] : memref<128x128xf32, #tpu.memory_space<vmem>>, vector<128x128xf32>
    %dot_general3A = arith.constant dense<0.000000e+00> : vector<16x128xf32>
    %dot_general3A_7 = tpu.matmul %get3A_3, %get3A_6, %dot_general3A {dimension_numbers = #tpu.dot_dimension_numbers<[1], [0], [0], [1], [0, 0, 1, 1], [], []>, transpose_lhs_hint = false} : vector<16x128xf32>, vector<128x128xf32>, vector<16x128xf32> -> vector<16x128xf32>
    %get3A_8 = arith.constant 0 : index
    %get3A_9 = arith.constant 0 : index
    %get3A_10 = vector.load %arg9[%get3A_8, %get3A_9] : memref<1x128xf32, #tpu.memory_space<vmem>>, vector<1x128xf32>
    %get3A_11 = arith.constant 0 : index
    %get3A_12 = arith.constant 0 : index
    %get3A_13 = vector.load %arg6[%get3A_11, %get3A_12] : memref<128x128xf32, #tpu.memory_space<vmem>>, vector<128x128xf32>
    %dot_general3A_14 = arith.constant dense<0.000000e+00> : vector<1x128xf32>
    %dot_general3A_15 = tpu.matmul %get3A_10, %get3A_13, %dot_general3A_14 {dimension_numbers = #tpu.dot_dimension_numbers<[1], [0], [0], [1], [0, 0, 1, 1], [], []>, transpose_lhs_hint = false} : vector<1x128xf32>, vector<128x128xf32>, vector<1x128xf32> -> vector<1x128xf32>
    %get3A_16 = arith.constant 0 : index
    %get3A_17 = arith.constant 0 : index
    %get3A_18 = vector.load %arg10[%get3A_16, %get3A_17] : memref<1x128xf32, #tpu.memory_space<vmem>>, vector<1x128xf32>
    %add3A = arith.addf %dot_general3A_15, %get3A_18 : vector<1x128xf32>
    %get3A_19 = arith.constant 0 : index
    %get3A_20 = arith.constant 0 : index
    %get3A_21 = vector.load %arg1[%get3A_19, %get3A_20] : memref<2000x128xf32, #tpu.memory_space<vmem>>, vector<2000x128xf32>
    %get3A_22 = arith.constant 0 : index
    %get3A_23 = arith.constant 0 : index
    %get3A_24 = vector.load %arg5[%get3A_22, %get3A_23] : memref<128x128xf32, #tpu.memory_space<vmem>>, vector<128x128xf32>
    %dot_general3A_25 = arith.constant dense<0.000000e+00> : vector<2000x128xf32>
    %dot_general3A_26 = tpu.matmul %get3A_21, %get3A_24, %dot_general3A_25 {dimension_numbers = #tpu.dot_dimension_numbers<[1], [0], [0], [1], [0, 0, 1, 1], [], []>, transpose_lhs_hint = false} : vector<2000x128xf32>, vector<128x128xf32>, vector<2000x128xf32> -> vector<2000x128xf32>
    %get3A_27 = arith.constant 0 : index
    %get3A_28 = arith.constant 0 : index
    %get3A_29 = vector.load %arg2[%get3A_27, %get3A_28] : memref<2000x16xf32, #tpu.memory_space<vmem>>, vector<2000x16xf32>
    %dot_general3A_30 = arith.constant dense<0.000000e+00> : vector<2000x128xf32>
    %dot_general3A_31 = tpu.matmul %get3A_29, %dot_general3A_7, %dot_general3A_30 {dimension_numbers = #tpu.dot_dimension_numbers<[1], [0], [0], [1], [0, 0, 1, 1], [], []>, transpose_lhs_hint = false} : vector<2000x16xf32>, vector<16x128xf32>, vector<2000x128xf32> -> vector<2000x128xf32>
    %add3A_32 = arith.addf %dot_general3A_26, %dot_general3A_31 : vector<2000x128xf32>
    %add3A_33 = vector.broadcast %add3A : vector<1x128xf32> to vector<2000x128xf32>
    %add3A_34 = arith.addf %add3A_32, %add3A_33 : vector<2000x128xf32>
    %mul3A = arith.mulf %add3A_34, %add3A_34 : vector<2000x128xf32>
    %reduce_sum3A = arith.constant dense<0.000000e+00> : vector<2000xf32>
    %reduce_sum3A_35 = vector.multi_reduction <add>, %mul3A, %reduce_sum3A [1] : vector<2000x128xf32> to vector<2000xf32>
    %broadcast_in_dim3A = vector.shape_cast %reduce_sum3A_35 : vector<2000xf32> to vector<2000x1xf32>
    %iota3A = tpu.iota {dimensions = array<i32: 1>} : vector<2000x128xi32>
    %eq3A_36 = arith.constant 0 : i32
    %eq3A_37 = vector.broadcast %eq3A_36 : i32 to vector<2000x128xi32>
    %eq3A_38 = arith.cmpi eq, %iota3A, %eq3A_37 : vector<2000x128xi32>
    %eq3A_39 = arith.constant 1 : i32
    %eq3A_40 = vector.broadcast %eq3A_39 : i32 to vector<2000x128xi32>
    %eq3A_41 = arith.cmpi eq, %iota3A, %eq3A_40 : vector<2000x128xi32>
    %jit3A = arith.constant 1.000000e+00 : f32
    %jit3A_42 = arith.constant 0.000000e+00 : f32
    %broadcast_in_dim3A_43 = vector.broadcast %jit3A : f32 to vector<2000x128xf32>
    %broadcast_in_dim3A_44 = vector.broadcast %jit3A_42 : f32 to vector<2000x128xf32>
    %select_n3A = arith.select %eq3A_41, %broadcast_in_dim3A_43, %broadcast_in_dim3A_44 : vector<2000x128xi1>, vector<2000x128xf32>
    %broadcast_in_dim3A_45 = vector.shape_cast %broadcast_in_dim3A : vector<2000x1xf32> to vector<2000x1xf32>
    %broadcast_in_dim3A_46 = vector.broadcast %broadcast_in_dim3A_45 : vector<2000x1xf32> to vector<2000x128xf32>
    %select_n3A_47 = arith.select %eq3A_38, %broadcast_in_dim3A_46, %select_n3A : vector<2000x128xi1>, vector<2000x128xf32>
    %concatenate3A = tpu.concatenate %add3A_34, %select_n3A_47 in 1 : vector<2000x128xf32>, vector<2000x128xf32> -> vector<2000x256xf32>
    %get3A_48 = arith.constant 0 : index
    %get3A_49 = arith.constant 0 : index
    %get3A_50 = arith.constant 0 : index
    %get3A_51 = vector.load %arg3[%get3A_48, %get3A_49, %get3A_50] : memref<1x2000x32xbf16, #tpu.memory_space<vmem>>, vector<1x2000x32xbf16>
    %get3A_52 = vector.shape_cast %get3A_51 : vector<1x2000x32xbf16> to vector<2000x32xbf16>
    %get3A_53 = arith.constant 0 : index
    %get3A_54 = arith.constant 0 : index
    %get3A_55 = arith.constant 0 : index
    %get3A_56 = vector.load %arg4[%get3A_53, %get3A_54, %get3A_55] : memref<1x2000x32xbf16, #tpu.memory_space<vmem>>, vector<1x2000x32xbf16>
    %get3A_57 = vector.shape_cast %get3A_56 : vector<1x2000x32xbf16> to vector<2000x32xbf16>
    %concatenate3A_58 = tpu.concatenate %get3A_52, %get3A_57 in 1 : vector<2000x32xbf16>, vector<2000x32xbf16> -> vector<2000x64xbf16>
    %convert_element_type3A_59 = arith.extf %concatenate3A_58 : vector<2000x64xbf16> to vector<2000x64xf32>
    %get3A_60 = arith.constant 0 : index
    %get3A_61 = arith.constant 0 : index
    %get3A_62 = vector.load %arg14[%get3A_60, %get3A_61] : memref<64x256xf32, #tpu.memory_space<vmem>>, vector<64x256xf32>
    %dot_general3A_63 = arith.constant dense<0.000000e+00> : vector<64x256xf32>
    %dot_general3A_64 = tpu.matmul %convert_element_type3A_59, %concatenate3A, %dot_general3A_63 {dimension_numbers = #tpu.dot_dimension_numbers<[0], [0], [1], [1], [0, 1, 1, 1], [], []>, transpose_lhs_hint = false} : vector<2000x64xf32>, vector<2000x256xf32>, vector<64x256xf32> -> vector<64x256xf32>
    %add3A_65 = arith.addf %get3A_62, %dot_general3A_64 : vector<64x256xf32>
    %swap3A = arith.constant 0 : index
    %swap3A_66 = arith.constant 0 : index
    %swap3A_67 = vector.load %arg14[%swap3A, %swap3A_66] : memref<64x256xf32, #tpu.memory_space<vmem>>, vector<64x256xf32>
    tpu.vector_store %arg14[%swap3A, %swap3A_66], %add3A_65 {strides = array<i32>} : memref<64x256xf32, #tpu.memory_space<vmem>>, vector<64x256xf32>,
    %eq3A_68 = arith.constant 4 : i32
    %eq3A_69 = arith.cmpi eq, %arg0, %eq3A_68 : i32
    %convert_element_type3A_70 = arith.extui %eq3A_69 : i1 to i32
    %cond3A_71 = arith.constant 0 : i32
    %cond3A_72 = arith.cmpi ne, %convert_element_type3A_70, %cond3A_71 : i32
    scf.if %cond3A_72 {
      %get3A_73 = arith.constant 0 : index
      %get3A_74 = arith.constant 0 : index
      %get3A_75 = vector.load %arg14[%get3A_73, %get3A_74] : memref<64x256xf32, #tpu.memory_space<vmem>>, vector<64x256xf32>
      %slice3A = vector.extract_strided_slice %get3A_75 {offsets = [0, 0], sizes = [64, 128], strides = [1, 1]} : vector<64x256xf32> to vector<64x128xf32>
      %slice3A_76 = vector.extract_strided_slice %get3A_75 {offsets = [0, 128], sizes = [64, 1], strides = [1, 1]} : vector<64x256xf32> to vector<64x1xf32>
      %slice3A_77 = vector.extract_strided_slice %get3A_75 {offsets = [0, 129], sizes = [64, 1], strides = [1, 1]} : vector<64x256xf32> to vector<64x1xf32>
      %get3A_78 = arith.constant 0 : index
      %get3A_79 = arith.constant 0 : index
      %get3A_80 = vector.load %arg8[%get3A_78, %get3A_79] : memref<16x128xf32, #tpu.memory_space<vmem>>, vector<16x128xf32>
      %get3A_81 = arith.constant 0 : index
      %get3A_82 = arith.constant 0 : index
      %get3A_83 = vector.load %arg7[%get3A_81, %get3A_82] : memref<128x128xf32, #tpu.memory_space<vmem>>, vector<128x128xf32>
      %dot_general3A_84 = arith.constant dense<0.000000e+00> : vector<16x128xf32>
      %dot_general3A_85 = tpu.matmul %get3A_80, %get3A_83, %dot_general3A_84 {dimension_numbers = #tpu.dot_dimension_numbers<[1], [0], [0], [1], [0, 0, 1, 1], [], []>, transpose_lhs_hint = false} : vector<16x128xf32>, vector<128x128xf32>, vector<16x128xf32> -> vector<16x128xf32>
      %get3A_86 = arith.constant 0 : index
      %get3A_87 = arith.constant 0 : index
      %get3A_88 = vector.load %arg9[%get3A_86, %get3A_87] : memref<1x128xf32, #tpu.memory_space<vmem>>, vector<1x128xf32>
      %get3A_89 = arith.constant 0 : index
      %get3A_90 = arith.constant 0 : index
      %get3A_91 = vector.load %arg7[%get3A_89, %get3A_90] : memref<128x128xf32, #tpu.memory_space<vmem>>, vector<128x128xf32>
      %dot_general3A_92 = arith.constant dense<0.000000e+00> : vector<1x128xf32>
      %dot_general3A_93 = tpu.matmul %get3A_88, %get3A_91, %dot_general3A_92 {dimension_numbers = #tpu.dot_dimension_numbers<[1], [0], [0], [1], [0, 0, 1, 1], [], []>, transpose_lhs_hint = false} : vector<1x128xf32>, vector<128x128xf32>, vector<1x128xf32> -> vector<1x128xf32>
      %get3A_94 = arith.constant 0 : index
      %get3A_95 = arith.constant 0 : index
      %get3A_96 = vector.load %arg11[%get3A_94, %get3A_95] : memref<64x16xf32, #tpu.memory_space<vmem>>, vector<64x16xf32>
      %dot_general3A_97 = arith.constant dense<0.000000e+00> : vector<64x128xf32>
      %dot_general3A_98 = tpu.matmul %get3A_96, %dot_general3A_85, %dot_general3A_97 {dimension_numbers = #tpu.dot_dimension_numbers<[1], [0], [0], [1], [0, 0, 1, 1], [], []>, transpose_lhs_hint = false} : vector<64x16xf32>, vector<16x128xf32>, vector<64x128xf32> -> vector<64x128xf32>
      %add3A_99 = vector.broadcast %dot_general3A_93 : vector<1x128xf32> to vector<64x128xf32>
      %add3A_100 = arith.addf %add3A_99, %dot_general3A_98 : vector<64x128xf32>
      %get3A_101 = arith.constant 0 : index
      %get3A_102 = arith.constant 0 : index
      %get3A_103 = vector.load %arg12[%get3A_101, %get3A_102] : memref<64x128xf32, #tpu.memory_space<vmem>>, vector<64x128xf32>
      %sub3A = arith.subf %add3A_100, %get3A_103 : vector<64x128xf32>
      %mul3A_104 = arith.mulf %slice3A, %sub3A : vector<64x128xf32>
      %reduce_sum3A_105 = arith.constant dense<0.000000e+00> : vector<64xf32>
      %reduce_sum3A_106 = vector.multi_reduction <add>, %mul3A_104, %reduce_sum3A_105 [1] : vector<64x128xf32> to vector<64xf32>
      %broadcast_in_dim3A_107 = vector.shape_cast %reduce_sum3A_106 : vector<64xf32> to vector<64x1xf32>
      %mul3A_108 = arith.mulf %sub3A, %sub3A : vector<64x128xf32>
      %reduce_sum3A_109 = arith.constant dense<0.000000e+00> : vector<64xf32>
      %reduce_sum3A_110 = vector.multi_reduction <add>, %mul3A_108, %reduce_sum3A_109 [1] : vector<64x128xf32> to vector<64xf32>
      %broadcast_in_dim3A_111 = vector.shape_cast %reduce_sum3A_110 : vector<64xf32> to vector<64x1xf32>
      %mul3A_112 = arith.constant 2.000000e+00 : f32
      %mul3A_113 = vector.broadcast %mul3A_112 : f32 to vector<64x1xf32>
      %mul3A_114 = arith.mulf %mul3A_113, %broadcast_in_dim3A_107 : vector<64x1xf32>
      %add3A_115 = arith.addf %slice3A_76, %mul3A_114 : vector<64x1xf32>
      %mul3A_116 = arith.mulf %slice3A_77, %broadcast_in_dim3A_111 : vector<64x1xf32>
      %add3A_117 = arith.addf %add3A_115, %mul3A_116 : vector<64x1xf32>
      %mul3A_118 = arith.constant 1.280000e+02 : f32
      %mul3A_119 = vector.broadcast %mul3A_118 : f32 to vector<64x1xf32>
      %mul3A_120 = arith.mulf %slice3A_77, %mul3A_119 : vector<64x1xf32>
      %div3A = arith.divf %add3A_117, %mul3A_120 : vector<64x1xf32>
      %reduce_sum3A_121 = vector.shape_cast %div3A : vector<64x1xf32> to vector<1x64x1xf32>
      %reduce_sum3A_122 = arith.constant dense<0.000000e+00> : vector<1xf32>
      %reduce_sum3A_123 = vector.multi_reduction <add>, %reduce_sum3A_121, %reduce_sum3A_122 [1, 2] : vector<1x64x1xf32> to vector<1xf32>
      %reduce_sum3A_124 = vector.shape_cast %reduce_sum3A_123 : vector<1xf32> to vector<1x1x1xf32>
      %reduce_sum3A_125 = vector.extract %reduce_sum3A_124[0, 0, 0] : f32 from vector<1x1x1xf32>
      %reshape3A = vector.broadcast %reduce_sum3A_125 : f32 to vector<1x1xf32>
      %swap3A_126 = arith.constant 0 : index
      %swap3A_127 = arith.constant 0 : index
      %swap3A_128 = vector.load %arg13[%swap3A_126, %swap3A_127] : memref<1x1xf32, #tpu.memory_space<vmem>>, vector<1x1xf32>
      tpu.vector_store %arg13[%swap3A_126, %swap3A_127], %reshape3A {strides = array<i32>} : memref<1x1xf32, #tpu.memory_space<vmem>>, vector<1x1xf32>,
    } else {
    }
    return
  }
  func.func @transform_0(%arg0: i32) -> (i32, i32) {
    %c0_i32 = arith.constant 0 : i32
    %c0_i32_0 = arith.constant 0 : i32
    return %arg0, %c0_i32 : i32, i32
  }
  func.func @transform_1(%arg0: i32) -> (i32, i32) {
    %c0_i32 = arith.constant 0 : i32
    %c0_i32_0 = arith.constant 0 : i32
    return %arg0, %c0_i32 : i32, i32
  }
  func.func @transform_2(%arg0: i32) -> (i32, i32, i32) {
    %c0_i32 = arith.constant 0 : i32
    %c0_i32_0 = arith.constant 0 : i32
    %c0_i32_1 = arith.constant 0 : i32
    return %c0_i32, %arg0, %c0_i32_0 : i32, i32, i32
  }
  func.func @transform_3(%arg0: i32) -> (i32, i32, i32) {
    %c1_i32 = arith.constant 1 : i32
    %c0_i32 = arith.constant 0 : i32
    %c0_i32_0 = arith.constant 0 : i32
    return %c1_i32, %arg0, %c0_i32 : i32, i32, i32
  }
  func.func @transform_4(%arg0: i32) -> (i32, i32) {
    %c0_i32 = arith.constant 0 : i32
    %c0_i32_0 = arith.constant 0 : i32
    %c0_i32_1 = arith.constant 0 : i32
    return %c0_i32, %c0_i32_0 : i32, i32
  }
  func.func @transform_5(%arg0: i32) -> (i32, i32) {
    %c0_i32 = arith.constant 0 : i32
    %c0_i32_0 = arith.constant 0 : i32
    %c0_i32_1 = arith.constant 0 : i32
    return %c0_i32, %c0_i32_0 : i32, i32
  }
  func.func @transform_6(%arg0: i32) -> (i32, i32) {
    %c0_i32 = arith.constant 0 : i32
    %c0_i32_0 = arith.constant 0 : i32
    %c0_i32_1 = arith.constant 0 : i32
    return %c0_i32, %c0_i32_0 : i32, i32
  }
  func.func @transform_7(%arg0: i32) -> (i32, i32) {
    %c0_i32 = arith.constant 0 : i32
    %c0_i32_0 = arith.constant 0 : i32
    %c0_i32_1 = arith.constant 0 : i32
    return %c0_i32, %c0_i32_0 : i32, i32
  }
  func.func @transform_8(%arg0: i32) -> (i32, i32) {
    %c0_i32 = arith.constant 0 : i32
    %c0_i32_0 = arith.constant 0 : i32
    %c0_i32_1 = arith.constant 0 : i32
    return %c0_i32, %c0_i32_0 : i32, i32
  }
  func.func @transform_9(%arg0: i32) -> (i32, i32) {
    %c0_i32 = arith.constant 0 : i32
    %c0_i32_0 = arith.constant 0 : i32
    %c0_i32_1 = arith.constant 0 : i32
    return %c0_i32, %c0_i32_0 : i32, i32
  }
  func.func @transform_10(%arg0: i32) -> (i32, i32) {
    %c0_i32 = arith.constant 0 : i32
    %c0_i32_0 = arith.constant 0 : i32
    %c0_i32_1 = arith.constant 0 : i32
    return %c0_i32, %c0_i32_0 : i32, i32
  }
  func.func @transform_11(%arg0: i32) -> (i32, i32) {
    %c0_i32 = arith.constant 0 : i32
    %c0_i32_0 = arith.constant 0 : i32
    %c0_i32_1 = arith.constant 0 : i32
    return %c0_i32, %c0_i32_0 : i32, i32
  }
  func.func @transform_12(%arg0: i32) -> (i32, i32) {
    %c0_i32 = arith.constant 0 : i32
    %c0_i32_0 = arith.constant 0 : i32
    %c0_i32_1 = arith.constant 0 : i32
    return %c0_i32, %c0_i32_0 : i32, i32
  }
}

</mosaic_0001>

<sc_bundles>
// kernel: kernel.4.cloned.1.call-start
scs
__scs_entry_jumppad:
0x0: {  	(pc) =	sbr.rel $0x88, $3  }
0x1: {  	(tag) =	ssettag $0x0;
	lr =	simm.s32 $0x1  }
0x2: {  	[smem:$0x3F98] =	sst lr;
	_ =	strace $0xD0000000  }
0x3: {  	_ = 	snop  }
0x4: {  	_ = 	snop  }
0x5: {  	_ = 	snop  }
0x6: {  	_ = 	snop  }
0x7: {  	_ = 	snop  }
__scs_overlays_trampoline_lowered:
0x8: {  	[smem:$0x3FA7] =	sst s0  }
0x9: {  	[smem:$0x3FA8] =	sst s1  }
0xa: {  	[smem:$0x3FA9] =	sst s2  }
0xb: {  	[smem:$0x3FAA] =	sst s3  }
0xc: {  	[smem:$0x3FAB] =	sst s4  }
0xd: {  	[smem:$0x3FAC] =	sst s5  }
0xe: {  	[smem:$0x3FAD] =	sst s6  }
0xf: {  	[smem:$0x3FAE] =	sst s7  }
0x10: {  	[smem:$0x3FAF] =	sst s8  }
0x11: {  	[smem:$0x3FB0] =	sst s9;
	s0 =	simm.s32 @!p0 $0x0  }
0x12: {  	s1 =	sld [smem:$0x3F96];
	s0 =	simm.s32 @p0 $0x1  }
0x13: {  	[smem:$0x3FB1] =	sst s0;
	s0 =	simm.s32 @!p1 $0x0  }
0x14: {  	s2 =	sld [smem:$0x3F95];
	s0 =	simm.s32 @p1 $0x1  }
0x15: {  	[smem:$0x3FB2] =	sst s0;
	s0 =	simm.s32 @!p2 $0x0  }
0x16: {  	s3 =	sld [smem:$0x3FDB];
	s0 =	simm.s32 @p2 $0x1  }
0x17: {  	s4 =	simm.s32 $0x1BF5;
	[smem:$0x3FB4] =	sst s0  }
0x18: {  	s0 =	sld [smem:$0x3F97];
	_ =	swait.ge [sflag:s4], $0x0  }
0x19: {  	s7 =	sld [smem:$0x3F98]  }
0x1a: {  	s8 =	sadd.s32 $0xFFFFE003, lr  }
0x1b: {  	s9 =	sadd.s32 $0xFFFFFEF7, lr;
	s5 =	simm.s32 $0xFFFFFFFF;
	p2 =	slt.u32 s8, $0xFFFFF086  }
0x1c: {  	p1 =	slt.u32 s9, $0xF7A;
	s5 =	simm.s32 @!p2 $0x0  }
0x1d: {  	s5 =	simm.s32 @p1 $0x1;
	p0 =	seq.s32 s7, s2  }
0x1e: {  	s7 =	smul.u32 @!p0 $0xF7A, s2;
	p2 =	seq.s32 @!p0 s5, $0x0  }
0x1f: {  	s9 =	smul.u32 $0xF7A, s1;
	s8 =	simm.s32 @!p0 $0x1BF5;
	p2 =	por !p2, p0  }
0x20: {  	[sflag:s8] =	ssyncset.s32 @!p0 $0xFFFFF086;
	s6 =	sadd.s32 @!p0 s3, s7;
	s7 =	simm.s32 @!p0 $0x108  }
0x21: {  	s3 =	sadd.s32 s3, s9;
	s6 =	sadd.s32 @!p0 $0x88, s6;
	s7 =	simm.s32 @p2 $0x1082  }
0x22: {  	[simem:s7], [sflag:s8] =	dma.local @!p0 [hbm:s6], $0xF7A  }
0x23: {  	s9 =	sor.u32 $0xD0000000, s2;
	s6 =	simm.s32 $0x108;
	_ =	swait.ge @!p0 [sflag:s8], $0x0  }
0x24: {  	s3 =	sadd.s32 $0x88, s3;
	s6 =	simm.s32 @!p1 $0x1082;
	[sflag:s4] =	ssyncset.s32 $0xFFFFF086  }
0x25: {  	[simem:s6], [sflag:s4] =	dma.local [hbm:s3], $0xF7A  }
0x26: {  	[smem:$0x3F98] =	sst s1;
	(tag) =	ssettag s2;
	_ =	strace s9  }
0x27: {  	s1 =	sld [smem:$0x3FA8]  }
0x28: {  	s2 =	sld [smem:$0x3FA9]  }
0x29: {  	s4 =	sld [smem:$0x3FAB]  }
0x2a: {  	p0 =	seq.s32 s5, $0x0;
	s5 =	sld [smem:$0x3FAC]  }
0x2b: {  	s6 =	sld [smem:$0x3FAD]  }
0x2c: {  	s7 =	sld [smem:$0x3FAE]  }
0x2d: {  	s3 =	simm.s32 $0x108;
	s8 =	sld [smem:$0x3FAF]  }
0x2e: {  	s3 =	simm.s32 @!p0 $0x1082;
	s9 =	sld [smem:$0x3FB0]  }
0x2f: {  	lr =	sadd.s32 s0, s3;
	s0 =	sld [smem:$0x3FA7]  }
0x30: {  	s3 =	sld [smem:$0x3FAA]  }
0x31: {  	[smem:$0x3FB3] =	sst s10  }
0x32: {  	s10 =	sld [smem:$0x3FB1];
	_ =	sdelay $0x3  }
0x33: {  	p0 =	seq.s32 s10, $0x1;
	s10 =	sld [smem:$0x3FB3];
	_ =	sdelay $0x3  }
0x34: {  	[smem:$0x3FB3] =	sst s10  }
0x35: {  	s10 =	sld [smem:$0x3FB2];
	_ =	sdelay $0x3  }
0x36: {  	p1 =	seq.s32 s10, $0x1;
	s10 =	sld [smem:$0x3FB3];
	_ =	sdelay $0x3  }
0x37: {  	[smem:$0x3FB3] =	sst s10  }
0x38: {  	s10 =	sld [smem:$0x3FB4]  }
0x39: {  	_ = 	snop;
	(pc) =	sbr.ind lr, $3  }
0x3a: {  	_ = 	snop  }
0x3b: {  	_ = 	snop  }
0x3c: {  	p2 =	seq.s32 s10, $0x1;
	s10 =	sld [smem:$0x3FB3]  }
0x3d: {  	_ =	shalt  }
0x3e: {  	_ =	shalt  }
0x3f: {  	_ =	shalt  }
0x40: {  	_ =	shalt  }
0x41: {  	_ =	shalt  }
0x42: {  	_ =	shalt  }
0x43: {  	_ =	shalt  }
0x44: {  	_ =	shalt  }
0x45: {  	_ =	shalt  }
0x46: {  	_ =	shalt  }
0x47: {  	_ =	shalt  }
0x48: {  	_ =	shalt  }
0x49: {  	_ =	shalt  }
0x4a: {  	_ =	shalt  }
0x4b: {  	_ =	shalt  }
0x4c: {  	_ =	shalt  }
0x4d: {  	_ =	shalt  }
0x4e: {  	_ =	shalt  }
0x4f: {  	_ =	shalt  }
0x50: {  	_ =	shalt  }
0x51: {  	_ =	shalt  }
0x52: {  	_ =	shalt  }
0x53: {  	_ =	shalt  }
0x54: {  	_ =	shalt  }
0x55: {  	_ =	shalt  }
0x56: {  	_ =	shalt  }
0x57: {  	_ =	shalt  }
0x58: {  	_ =	shalt  }
0x59: {  	_ =	shalt  }
0x5a: {  	_ =	shalt  }
0x5b: {  	_ =	shalt  }
0x5c: {  	_ =	shalt  }
0x5d: {  	_ =	shalt  }
0x5e: {  	_ =	shalt  }
0x5f: {  	_ =	shalt  }
0x60: {  	_ =	shalt  }
0x61: {  	_ =	shalt  }
0x62: {  	_ =	shalt  }
0x63: {  	_ =	shalt  }
0x64: {  	_ =	shalt  }
0x65: {  	_ =	shalt  }
0x66: {  	_ =	shalt  }
0x67: {  	_ =	shalt  }
0x68: {  	_ =	shalt  }
0x69: {  	_ =	shalt  }
0x6a: {  	_ =	shalt  }
0x6b: {  	_ =	shalt  }
0x6c: {  	_ =	shalt  }
0x6d: {  	_ =	shalt  }
0x6e: {  	_ =	shalt  }
0x6f: {  	_ =	shalt  }
0x70: {  	_ =	shalt  }
0x71: {  	_ =	shalt  }
0x72: {  	_ =	shalt  }
0x73: {  	_ =	shalt  }
0x74: {  	_ =	shalt  }
0x75: {  	_ =	shalt  }
0x76: {  	_ =	shalt  }
0x77: {  	_ =	shalt  }
0x78: {  	_ =	shalt  }
0x79: {  	_ =	shalt  }
0x7a: {  	_ =	shalt  }
0x7b: {  	_ =	shalt  }
0x7c: {  	_ =	shalt  }
0x7d: {  	_ =	shalt  }
0x7e: {  	_ =	shalt  }
0x7f: {  	_ =	shalt  }
0x80: {  	_ =	shalt  }
0x81: {  	_ =	shalt  }
0x82: {  	_ =	shalt  }
0x83: {  	_ =	shalt  }
0x84: {  	_ =	shalt  }
0x85: {  	_ =	shalt  }
0x86: {  	_ =	shalt  }
0x87: {  	_ =	shalt  }
.Lfunc_end0:
.L_simem_size_0:
called_computation_lowered:
.L_overlay_start_0:
0x88: {  	s2 =	sld [smem:$0x3FD9]  }
0x89: {  	s3 =	sld [smem:$0x3FFE];
	_ =	sdelay $0x1  }
0x8a: {  	s1 =	srdreg.scid  }
0x8b: {  	s0 =	sand.u32 $0x1, s1  }
0x8c: {  	s17 =	sshll.u32 s0, $0xA;
	s2 =	sadd.s32 s3, s2  }
0x8d: {  	s2 =	sadd.s32 s2, s17  }
0x8e: {  	[smem:$0x3FBF] =	sst s2  }
0x8f: {  	_ = 	snop  }
0x90: {  	s2 =	sld [smem:$0x3FC6]  }
0x91: {  	s18 =	sld [smem:$0x3FC5];
	(tm) =	ssettm $0x1  }
0x92: {  	s4 =	sld [smem:$0x3FFB];
	_ =	sdelay $0x3  }
0x93: {  	_ =	strace s4  }
0x94: {  	s4 =	sld [smem:$0x3FFC];
	_ =	sdelay $0x3  }
0x95: {  	_ =	strace s4  }
0x96: {  	s4 =	sld [smem:$0x3FFD];
	_ =	sdelay $0x3  }
0x97: {  	_ =	strace s4  }
0x98: {  	_ =	strace $0x8FFFFFFF  }
0x99: {  	s19 =	sld [smem:$0x3FDB];
	_ =	sdelay $0x1  }
0x9a: {  	s5 =	simm.s32 $_scs_section_size  }
0x9b: {  	s6 =	simm.s32 $_size__tile_overlayer_lowered;
	s7 =	simm.s32 $_tile_overlayer_lowered  }
0x9c: {  	s22 =	simm.s32 $0x1BFF;
	s21 =	sshll.u32 s7, $0x1;
	s4 =	sadd.s32 s5, s19  }
0x9d: {  	s8 =	simm.s32 $0x0;
	s20 =	sshll.u32 s6, $0x1;
	s6 =	sadd.s32 s21, s4  }
0x9e: {  	[timem:s8], [sflag:s22] =	dma.local [hbm:s6], s20  }
0x9f: {  	_ =	swait.ge [sflag:s22], s20  }
0xa0: {  	s5 =	ssub.s32 $0x0, s20;
	[sflag:s22] =	ssyncset.done $0x0  }
0xa1: {  	[sflag:s22] =	ssyncadd.s32 s5;
	_ =	sdelay $0x1  }
0xa2: {  	s23 =	simm.s32 $0x1B8B  }
0xa3: {  	_ =	swait.ge [sflag:s23], $0x1  }
0xa4: {  	[sflag:s23] =	ssyncset.done $0x0  }
0xa5: {  	s25 =	simm.s32 $0x1B8E;
	s24 =	sld [smem:$0x3FFE];
	[sflag:s23] =	ssyncadd.s32 $0xFFFFFFFF  }
0xa6: {  	s26 =	simm.s32 $execute0_lowered;
	[smem:$0x3FD2] =	sst s25  }
0xa7: {  	s6 =	sshll.u32 s26, $0x1;
	_ =	strace $0x80000046;
	[dreg:$0x1] =	wrdreg $0xFFFFFFFF  }
0xa8: {  	s28 =	simm.s32 $_size_execute0_lowered;
	s4 =	sadd.s32 s4, s6;
	[dreg:$0x0] =	wrdreg $0x0  }
0xa9: {  	s6 =	sshll.u32 s28, $0x1;
	[dreg:$0x2] =	wrdreg s4  }
0xaa: {  	[dreg:$0x3] =	wrdreg s6  }
0xab: {  	[dreg:$0x4] =	wrdreg $0xC0  }
0xac: {  	_ =	task [dreg:s8], $0x5FFFF  }
0xad: {  	[dreg:$0x1] =	wrdreg $0xFFFFFFFF  }
0xae: {  	[dreg:$0x0] =	wrdreg $0x60  }
0xaf: {  	[dreg:$0x2] =	wrdreg s24  }
0xb0: {  	[dreg:$0x3] =	wrdreg s18  }
0xb1: {  	[dreg:$0x4] =	wrdreg s2  }
0xb2: {  	[dreg:$0x5] =	wrdreg $0x0  }
0xb3: {  	[dreg:$0x6] =	wrdreg $0x9  }
0xb4: {  	_ =	task.clear_ibuf [dreg:s8], $0x7FFFF;
	_ =	strace $0x90000046  }
0xb5: {  	s29 =	simm.s32 $0x9;
	_ =	strace $0x80000048  }
0xb6: {  	_ =	swait.ge [sflag:s29], $0x1  }
0xb7: {  	[sflag:s29] =	ssyncadd.s32 $0xFFFFFFFF  }
0xb8: {  	_ =	strace $0x90000048  }
0xb9: {  	_ =	sfence  }
0xba: {  	s30 =	sld [smem:$0x0];
	_ =	sdelay $0x2  }
0xbb: {  	s31 =	sshll.u32 s1, $0xD;
	s1 =	sshrl.u32 s1, $0x2  }
0xbc: {  	s3 =	sand.u32 $0x4000, s31;
	s1 =	sadd.s32 s1, s30  }
0xbd: {  	s0 =	sor.u32 s3, s0;
	s1 =	sshll.u32 s1, $0x11  }
0xbe: {  	s0 =	sor.u32 s1, s0  }
0xbf: {  	s0 =	sadd.s32 $0x8F2B, s0  }
0xc0: {  	[sflag:s0] =	ssyncadd.remote.s32 $0x1  }
0xc1: {  	_ =	sfence.sel $0xFFFF  }
0xc2: {  	[dreg:$0x0] =	wrdreg $0xFFFFFFFF;
	(pc) =	sbr.abs _section_cstart, $3  }
0xc3: {  	[dreg:$0x1] =	wrdreg $0xFFFFFFFF  }
0xc4: {  	_ =	task.clear_ibuf [dreg:s8], $0x2FFFF;
	_ =	strace $0x9FFFFFFF  }
0xc5: {  	(tm) =	ssettm $0x7FFFFFFF  }
tec
execute0_lowered:
.L_overlay_start_1:
0x0: {  	(tag) =	ssettag $0x1  }
0x1: {  	s0 =	rddreg [dreg:$0x0]  }
0x2: {  	s1 =	rddreg [dreg:$0x1]  }
0x3: {  	s3 =	rddreg [dreg:$0x3];
	s2 =	stileid.u32  }
0x4: {  	s4 =	simm.s32 $0x0;
	s6 =	srdreg.scid;
	s15 =	simm.s32 $0x2800  }
0x5: {  	s16 =	simm.s32 $0x5;
	s17 =	simm.s32 $0x4F10;
	s18 =	simm.s32 $0xF320  }
0x6: {  	s19 =	simm.s32 $0x11B20;
	s28 =	simm.s32 $0x2;
	s30 =	simm.s32 $0x4  }
0x7: {  	s14 =	simm.s32 $0x3F70;
	s29 =	simm.s32 $0x7238;
	s31 =	simm.s32 $0x4740  }
0x8: {  	s5 =	smul.u32 $0x2710, s2;
	[smem:$0x7FF] =	sst s4;
	s6 =	sand.u32 $0x1, s6  }
0x9: {  	s8 =	sadd.s32 $0x2000, s0;
	s20 =	sadd.s32 $0x11000, s0;
	s11 =	smul.u32 $0x5000, s2  }
0xa: {  	s10 =	sadd.s32 $0x1B000, s0;
	p0 =	seq.s32 s2, $0x1;
	p2 =	sne.s32 s2, $0x0  }
0xb: {  	s2 =	simm.s32 $0x0;
	_ =	strace $0x80000047;
	[dreg:$0x5] =	wrdreg s8  }
0xc: {  	s7 =	sshll.u32 s6, $0x7;
	s9 =	ssub.s32 $0x2, s6;
	[dreg:$0x6] =	wrdreg s10  }
0xd: {  	p1 =	seq.s32 s6, $0x0;
	s12 =	smul.u32 $0x50000, s6;
	s5 =	sshrl.u32 s5, $0x3  }
0xe: {  	s7 =	sadd.s32 s7, s0;
	s21 =	sshrl.u32 s9, $0x1;
	s23 =	sshrl.u32 s11, $0x1  }
0xf: {  	p1 =	por !p0, !p1;
	s5 =	sadd.s32 s5, s0;
	s0 =	sadd.s32 $0x1B200, s0  }
0x10: {  	s10 =	sadd.s32 s23, s3;
	p3 =	por !p1, !p1;
	s24 =	sadd.s32 $0x10E00, s7  }
0x11: {  	s25 =	sadd.s32 s11, s12;
	p1 =	seq.s32 s6, $0x1;
	s26 =	sshrl.u32 s12, $0x4  }
0x12: {  	s23 =	simm.s32 $0xB4A0;
	[dreg:$0x7] =	wrdreg s0;
	s0 =	ssub.s32 s9, s21  }
0x13: {  	s22 =	sadd.s32 $0x7000, s5;
	s5 =	sadd.s32 $0xBE20, s5;
	[dreg:$0xa] =	wrdreg s24  }
0x14: {  	s13 =	sadd.s32 s20, s26;
	p3 =	por !p3, !p2;
	s21 =	simm.s32 $0x7620  }
0x15: {  	s24 =	simm.s32 $0x1;
	s26 =	simm.s32 $0x4358;
	[dreg:$0x8] =	wrdreg s22  }
0x16: {  	[dreg:$0x9] =	wrdreg s5;
	s5 =	sshrl.u32 s25, $0x4;
	s0 =	smax.u32 s0, $0x1  }
0x17: {  	s25 =	simm.s32 $0x3;
	s22 =	simm.s32 $0x6E50;
	s12 =	sadd.s32 s20, s5  }
0x18: {  	v0 =	vimm.bf16 $0.0e+00;
	v1 =	vimm.bf16 $1.0000e+00;
	[dreg:$0xb] =	wrdreg s0;
	s20 =	simm.s32 $0x3E8;
	s0 =	simm.s32 $0x4B28  }
.LBB2_1:
0x19: {  	s5 =	rddreg [dreg:$0x8]  }
0x1a: {  	[tilespmem:s15], [sflag:$0x5] =	stream.linear.gather [hbm4b:s5+s4], $0x2710, $0x38;
	[tilespmem:$0x16B60] =	vst v63  }
0x1b: {  	_ =	swait.ge [sflag:s16], $0x2710  }
0x1c: {  	[sflag:s16] =	ssyncset.done $0x0  }
0x1d: {  	s11 =	rddreg [dreg:$0x9];
	[sflag:s16] =	ssyncadd.s32 $0xFFFFD8F0  }
0x1e: {  	[tilespmem:s17], [sflag:$0x5] =	stream.linear.gather [hbm4b:s11+s4], $0x2710, $0x38;
	[tilespmem:$0x16B60] =	vst v63  }
0x1f: {  	_ =	swait.ge [sflag:s16], $0x2710  }
0x20: {  	[sflag:s16] =	ssyncset.done $0x0  }
0x21: {  	s6 =	simm.s32 $0x0;
	s5 =	simm.s32 $0x40;
	[sflag:s16] =	ssyncadd.s32 $0xFFFFD8F0  }
.LBB2_2:
0x22: {  	p4 =	sne.s32 s5, $0x9FC0;
	[tilespmem:s6+$0xF320] =	vst v0;
	s6 =	smov.u32 s5;
	s5 =	sadd.s32 $0x40, s5  }
.Ltmp0:
0x23: {  	(pc) =	sbr.rel @p4 .LBB2_2-.Ltmp0, $2  }
0x24: {  	_ =	sdelay $0x2  }
0x25: {  	s6 =	sshra.s32 s6, $0x2  }
0x26: {  	[tilespmem:s6+$0xF320] =	vst v0  }
0x27: {  	[spmem:s10] =	stream.linear.scatter [tilespmem:s18], [sflag:$0x5], $0x2800, $0x38;
	[tilespmem:$0x16B60] =	vst v63  }
0x28: {  	_ =	swait.ge [sflag:s16], $0x2800  }
0x29: {  	[sflag:s16] =	ssyncset.done $0x0  }
0x2a: {  	s5 =	simm.s32 @!p3 $0x0;
	[sflag:s16] =	ssyncadd.s32 $0xFFFFD800  }
0x2b: {  	s6 =	simm.s32 @!p3 $0x14320;
	s7 =	simm.s32 @!p3 $0x5;
	[bflag:$0x0] =	sbarrier.arrive $0xFFFF  }
0x2c: {  	[tilespmem:s6], [sflag:$0x5] =	stream.linear.gather @!p3 [hbm4b:s1+s5], $0x40, $0x38;
	[tilespmem:$0x16B60] =	vst v63  }
0x2d: {  	_ =	swait.ge @!p3 [sflag:s7], $0x40  }
0x2e: {  	s8 =	simm.s32 @!p3 $0x40;
	[sflag:s7] =	ssyncset.done @!p3 $0x0  }
0x2f: {  	s9 =	simm.s32 @!p3 $0x14760;
	s11 =	rddreg [dreg:$0x5];
	[sflag:s7] =	ssyncadd.s32 @!p3 $0xFFFFFFC0  }
0x30: {  	[tilespmem:s9], [sflag:$0x1] =	stream.indirect.gather @!p3 [hbm4b:s11+s8], $0x10, s6, s8, $0xb8;
	[tilespmem:$0x16B60] =	vst v63  }
0x31: {  	p4 =	por @!p3 $0x1, $0x1;
	p5 =	por p0, p0;
	s6 =	simm.s32 @!p3 $0x1  }
0x32: {  	p5 =	por @!p3 p4, p4;
	_ =	swait.ge @!p3 [sflag:s6], $0x400  }
0x33: {  	p4 =	por @p2 !p5, !p1;
	[sflag:s6] =	ssyncset.done @!p3 $0x0  }
0x34: {  	p4 =	por @p2 !p4, !p4;
	[sflag:s6] =	ssyncadd.s32 @!p3 $0xFFFFFC00;
	s6 =	rddreg [dreg:$0x6]  }
0x35: {  	[hbm4b:s6+s5] =	stream.linear.scatter @!p3 [tilespmem:s9], [sflag:$0x5], $0x400, $0x38;
	[tilespmem:$0x16B60] =	vst v63  }
0x36: {  	p4 =	por !p4, !p2;
	_ =	swait.ge @!p3 [sflag:s7], $0x400  }
0x37: {  	s5 =	simm.s32 @!p4 $0x0;
	[sflag:s7] =	ssyncset.done @!p3 $0x0  }
0x38: {  	s6 =	simm.s32 @!p4 $0x14320;
	[sflag:s7] =	ssyncadd.s32 @!p3 $0xFFFFFC00;
	s7 =	simm.s32 @!p4 $0x5  }
0x39: {  	[tilespmem:s6], [sflag:$0x5] =	stream.linear.gather @!p4 [hbm4b:s1+s5], $0x40, $0x38;
	[tilespmem:$0x16B60] =	vst v63  }
0x3a: {  	_ =	swait.ge @!p4 [sflag:s7], $0x40  }
0x3b: {  	[sflag:s7] =	ssyncset.done @!p4 $0x0  }
0x3c: {  	[sflag:s7] =	ssyncadd.s32 @!p4 $0xFFFFFFC0  }
0x3d: {  	s8 =	simm.s32 @!p4 $0x40;
	s9 =	simm.s32 @!p4 $0x14B60;
	s11 =	rddreg [dreg:$0x2]  }
0x3e: {  	[tilespmem:s9], [sflag:$0x1] =	stream.indirect.gather @!p4 [hbm4b:s11+s8], $0x80, s6, s8, $0xb8;
	[tilespmem:$0x16B60] =	vst v63  }
0x3f: {  	s6 =	simm.s32 @!p4 $0x1  }
0x40: {  	_ =	swait.ge @!p4 [sflag:s6], $0x2000  }
0x41: {  	[sflag:s6] =	ssyncset.done @!p4 $0x0  }
0x42: {  	[sflag:s6] =	ssyncadd.s32 @!p4 $0xFFFFE000;
	s6 =	rddreg [dreg:$0x7]  }
0x43: {  	[hbm4b:s6+s5] =	stream.linear.scatter @!p4 [tilespmem:s9], [sflag:$0x5], $0x2000, $0x38;
	[tilespmem:$0x16B60] =	vst v63  }
0x44: {  	_ =	swait.ge @!p4 [sflag:s7], $0x2000  }
0x45: {  	s5 =	simm.s32 @!p2 $0x0;
	[sflag:s7] =	ssyncset.done @!p4 $0x0  }
0x46: {  	s6 =	simm.s32 @!p2 $0x14320;
	[sflag:s7] =	ssyncadd.s32 @!p4 $0xFFFFE000;
	s7 =	simm.s32 @!p2 $0x5  }
0x47: {  	[tilespmem:s6], [sflag:$0x5] =	stream.linear.gather @!p2 [hbm4b:s1+s5], $0x40, $0x38;
	[tilespmem:$0x16B60] =	vst v63  }
0x48: {  	_ =	swait.ge @!p2 [sflag:s7], $0x40  }
0x49: {  	[sflag:s7] =	ssyncset.done @!p2 $0x0  }
0x4a: {  	s8 =	simm.s32 @!p2 $0x14360;
	s9 =	rddreg [dreg:$0xa];
	[sflag:s7] =	ssyncadd.s32 @!p2 $0xFFFFFFC0  }
0x4b: {  	[tilespmem:s8], [sflag:$0x5] =	stream.linear.gather @!p2 [hbm4b:s9+s5], $0x400, $0x38;
	[tilespmem:$0x16B60] =	vst v63  }
0x4c: {  	_ =	swait.ge @!p2 [sflag:s7], $0x400  }
0x4d: {  	[sflag:s7] =	ssyncset.done @!p2 $0x0  }
0x4e: {  	s5 =	simm.s32 @!p2 $0x40;
	[sflag:s7] =	ssyncadd.s32 @!p2 $0xFFFFFC00  }
0x4f: {  	[spmem:s3] =	stream.indirect.scatter.add.bf16 @!p2 [tilespmem:s8], [sflag:$0x5], $0x10, s6, s5, $0xb8;
	[tilespmem:$0x16B60] =	vst v63  }
0x50: {  	_ =	swait.ge @!p2 [sflag:s7], $0x400  }
0x51: {  	[sflag:s7] =	ssyncset.done @!p2 $0x0  }
0x52: {  	[sflag:s7] =	ssyncadd.s32 @!p2 $0xFFFFFC00  }
0x53: {  	[bflag:$0x0] =	sbarrier.arrive $0xFFFF  }
0x54: {  	[tilespmem:s18], [sflag:$0x5] =	stream.linear.gather [spmem:s10], $0x2800, $0x38;
	[tilespmem:$0x16B60] =	vst v63  }
0x55: {  	_ =	swait.ge [sflag:s16], $0x2800  }
0x56: {  	[sflag:s16] =	ssyncset.done $0x0  }
0x57: {  	s5 =	simm.s32 $0x0;
	[sflag:s16] =	ssyncadd.s32 $0xFFFFD800  }
0x58: {  	v2 =	vld [tilespmem:s5+$0xF320]  }
0x59: {  	s6 =	simm.s32 $0x40;
	s7 =	simm.s32 $0x80;
	[tilespmem:s5+$0xF320] =	vst v0  }
.LBB2_4:
0x5a: {  	p4 =	sne.s32 s7, $0x9FC0  }
.Ltmp1:
0x5b: {  	_ = 	snop;
	(pc) =	sbr.rel @p4 .LBB2_4-.Ltmp1, $4  }
0x5c: {  	_ = 	snop  }
0x5d: {  	s9 =	sshra.s32 s6, $0x2;
	vm0 =	vgt.bf16 v2, $0.0e+00  }
0x5e: {  	s8 =	smov.u32 s7;
	v2 =	vld [tilespmem:s9+$0xF320];
	[tilespmem:s9+$0xF320] =	vst v0;
	v3 =	vsel vm0, v1, v0  }
0x5f: {  	s7 =	sadd.s32 $0x40, s7;
	s6 =	smov.u32 s8;
	[tilespmem:s5+$0x11B20] =	vst v3;
	s5 =	smov.u32 s9  }
0x60: {  	s6 =	sshra.s32 s6, $0x2  }
0x61: {  	v3 =	vld [tilespmem:s6+$0xF320];
	_ =	sdelay $0x3  }
0x62: {  	vm0 =	vgt.bf16 v2, $0.0e+00  }
0x63: {  	[tilespmem:s6+$0xF320] =	vst v0;
	v2 =	vsel vm0, v1, v0;
	vm15 =	vgt.bf16 v3, $0.0e+00  }
0x64: {  	[tilespmem:s5+$0x11B20] =	vst v2;
	v2 =	vsel vm15, v1, v0  }
0x65: {  	[tilespmem:s6+$0x11B20] =	vst v2;
	s6 =	simm.s32 $0x0  }
0x66: {  	[hbm4b:s12+s6] =	stream.linear.scatter [tilespmem:s19], [sflag:$0x5], $0x2800, $0x38;
	[tilespmem:$0x16B60] =	vst v63  }
0x67: {  	_ =	swait.ge [sflag:s16], $0x2800  }
0x68: {  	[sflag:s16] =	ssyncset.done $0x0  }
0x69: {  	[sflag:s16] =	ssyncadd.s32 $0xFFFFD800  }
0x6a: {  	[spmem:s10] =	stream.linear.scatter [tilespmem:s18], [sflag:$0x5], $0x2800, $0x38;
	[tilespmem:$0x16B60] =	vst v63  }
0x6b: {  	_ =	swait.ge [sflag:s16], $0x2800  }
0x6c: {  	[sflag:s16] =	ssyncset.done $0x0  }
0x6d: {  	[sflag:s16] =	ssyncadd.s32 $0xFFFFD800  }
0x6e: {  	[bflag:$0x0] =	sbarrier.arrive $0xFFFF  }
0x6f: {  	[tilespmem:s21], [sflag:$0x1] =	stream.indirect.gather [hbm4b:s13+s20], $0x10, s17, s20, $0xb8;
	[tilespmem:$0x16B60] =	vst v63  }
0x70: {  	s8 =	simm.s32 $0x52F8  }
0x71: {  	[tilespmem:s23], [sflag:$0x2] =	stream.indirect.gather [hbm4b:s13+s20], $0x10, s8, s20, $0xb8;
	[tilespmem:$0x16B60] =	vst v63  }
0x72: {  	_ =	swait.ge [sflag:s24], $0x3E80  }
0x73: {  	[sflag:s24] =	ssyncset.done $0x0  }
0x74: {  	[sflag:s24] =	ssyncadd.s32 $0xFFFFC180  }
0x75: {  	[spmem:s3] =	stream.indirect.scatter.add.bf16 [tilespmem:s21], [sflag:$0x3], $0x10, s15, s20, $0xb8;
	[tilespmem:$0x16B60] =	vst v63  }
0x76: {  	_ =	swait.ge [sflag:s25], $0x3E80  }
0x77: {  	[sflag:s25] =	ssyncset.done $0x0  }
0x78: {  	s9 =	simm.s32 $0x56E0;
	[sflag:s25] =	ssyncadd.s32 $0xFFFFC180  }
0x79: {  	[tilespmem:s21], [sflag:$0x1] =	stream.indirect.gather [hbm4b:s13+s20], $0x10, s9, s20, $0xb8;
	[tilespmem:$0x16B60] =	vst v63  }
0x7a: {  	_ =	swait.ge [sflag:s28], $0x3E80  }
0x7b: {  	[sflag:s28] =	ssyncset.done $0x0  }
0x7c: {  	s11 =	simm.s32 $0x2BE8;
	[sflag:s28] =	ssyncadd.s32 $0xFFFFC180  }
0x7d: {  	[spmem:s3] =	stream.indirect.scatter.add.bf16 [tilespmem:s23], [sflag:$0x4], $0x10, s11, s20, $0xb8;
	[tilespmem:$0x16B60] =	vst v63  }
0x7e: {  	_ =	swait.ge [sflag:s30], $0x3E80  }
0x7f: {  	[sflag:s30] =	ssyncset.done $0x0  }
0x80: {  	s7 =	simm.s32 $0x5AC8;
	[sflag:s30] =	ssyncadd.s32 $0xFFFFC180  }
0x81: {  	[tilespmem:s23], [sflag:$0x2] =	stream.indirect.gather [hbm4b:s13+s20], $0x10, s7, s20, $0xb8;
	[tilespmem:$0x16B60] =	vst v63  }
0x82: {  	_ =	swait.ge [sflag:s24], $0x3E80  }
0x83: {  	[sflag:s24] =	ssyncset.done $0x0  }
0x84: {  	s6 =	simm.s32 $0x2FD0;
	[sflag:s24] =	ssyncadd.s32 $0xFFFFC180  }
0x85: {  	[spmem:s3] =	stream.indirect.scatter.add.bf16 [tilespmem:s21], [sflag:$0x3], $0x10, s6, s20, $0xb8;
	[tilespmem:$0x16B60] =	vst v63  }
0x86: {  	_ =	swait.ge [sflag:s25], $0x3E80  }
0x87: {  	[sflag:s25] =	ssyncset.done $0x0  }
0x88: {  	s7 =	simm.s32 $0x5EB0;
	[sflag:s25] =	ssyncadd.s32 $0xFFFFC180  }
0x89: {  	[tilespmem:s21], [sflag:$0x1] =	stream.indirect.gather [hbm4b:s13+s20], $0x10, s7, s20, $0xb8;
	[tilespmem:$0x16B60] =	vst v63  }
0x8a: {  	_ =	swait.ge [sflag:s28], $0x3E80  }
0x8b: {  	[sflag:s28] =	ssyncset.done $0x0  }
0x8c: {  	s6 =	simm.s32 $0x33B8;
	[sflag:s28] =	ssyncadd.s32 $0xFFFFC180  }
0x8d: {  	[spmem:s3] =	stream.indirect.scatter.add.bf16 [tilespmem:s23], [sflag:$0x4], $0x10, s6, s20, $0xb8;
	[tilespmem:$0x16B60] =	vst v63  }
0x8e: {  	_ =	swait.ge [sflag:s30], $0x3E80  }
0x8f: {  	[sflag:s30] =	ssyncset.done $0x0  }
0x90: {  	s7 =	simm.s32 $0x6298;
	[sflag:s30] =	ssyncadd.s32 $0xFFFFC180  }
0x91: {  	[tilespmem:s23], [sflag:$0x2] =	stream.indirect.gather [hbm4b:s13+s20], $0x10, s7, s20, $0xb8;
	[tilespmem:$0x16B60] =	vst v63  }
0x92: {  	_ =	swait.ge [sflag:s24], $0x3E80  }
0x93: {  	[sflag:s24] =	ssyncset.done $0x0  }
0x94: {  	s6 =	simm.s32 $0x37A0;
	[sflag:s24] =	ssyncadd.s32 $0xFFFFC180  }
0x95: {  	[spmem:s3] =	stream.indirect.scatter.add.bf16 [tilespmem:s21], [sflag:$0x3], $0x10, s6, s20, $0xb8;
	[tilespmem:$0x16B60] =	vst v63  }
0x96: {  	_ =	swait.ge [sflag:s25], $0x3E80  }
0x97: {  	[sflag:s25] =	ssyncset.done $0x0  }
0x98: {  	s7 =	simm.s32 $0x6680;
	[sflag:s25] =	ssyncadd.s32 $0xFFFFC180  }
0x99: {  	[tilespmem:s21], [sflag:$0x1] =	stream.indirect.gather [hbm4b:s13+s20], $0x10, s7, s20, $0xb8;
	[tilespmem:$0x16B60] =	vst v63  }
0x9a: {  	_ =	swait.ge [sflag:s28], $0x3E80  }
0x9b: {  	[sflag:s28] =	ssyncset.done $0x0  }
0x9c: {  	s6 =	simm.s32 $0x3B88;
	[sflag:s28] =	ssyncadd.s32 $0xFFFFC180  }
0x9d: {  	[spmem:s3] =	stream.indirect.scatter.add.bf16 [tilespmem:s23], [sflag:$0x4], $0x10, s6, s20, $0xb8;
	[tilespmem:$0x16B60] =	vst v63  }
0x9e: {  	_ =	swait.ge [sflag:s30], $0x3E80  }
0x9f: {  	[sflag:s30] =	ssyncset.done $0x0  }
0xa0: {  	s7 =	simm.s32 $0x6A68;
	[sflag:s30] =	ssyncadd.s32 $0xFFFFC180  }
0xa1: {  	[tilespmem:s23], [sflag:$0x2] =	stream.indirect.gather [hbm4b:s13+s20], $0x10, s7, s20, $0xb8;
	[tilespmem:$0x16B60] =	vst v63  }
0xa2: {  	_ =	swait.ge [sflag:s24], $0x3E80  }
0xa3: {  	[sflag:s24] =	ssyncset.done $0x0  }
0xa4: {  	[sflag:s24] =	ssyncadd.s32 $0xFFFFC180  }
0xa5: {  	[spmem:s3] =	stream.indirect.scatter.add.bf16 [tilespmem:s21], [sflag:$0x3], $0x10, s14, s20, $0xb8;
	[tilespmem:$0x16B60] =	vst v63  }
0xa6: {  	_ =	swait.ge [sflag:s25], $0x3E80  }
0xa7: {  	[sflag:s25] =	ssyncset.done $0x0  }
0xa8: {  	[sflag:s25] =	ssyncadd.s32 $0xFFFFC180  }
0xa9: {  	[tilespmem:s21], [sflag:$0x1] =	stream.indirect.gather [hbm4b:s13+s20], $0x10, s22, s20, $0xb8;
	[tilespmem:$0x16B60] =	vst v63  }
0xaa: {  	_ =	swait.ge [sflag:s28], $0x3E80  }
0xab: {  	[sflag:s28] =	ssyncset.done $0x0  }
0xac: {  	[sflag:s28] =	ssyncadd.s32 $0xFFFFC180  }
0xad: {  	[spmem:s3] =	stream.indirect.scatter.add.bf16 [tilespmem:s23], [sflag:$0x4], $0x10, s26, s20, $0xb8;
	[tilespmem:$0x16B60] =	vst v63  }
0xae: {  	_ =	swait.ge [sflag:s30], $0x3E80  }
0xaf: {  	[sflag:s30] =	ssyncset.done $0x0  }
0xb0: {  	[sflag:s30] =	ssyncadd.s32 $0xFFFFC180  }
0xb1: {  	[tilespmem:s23], [sflag:$0x2] =	stream.indirect.gather [hbm4b:s13+s20], $0x10, s29, s20, $0xb8;
	[tilespmem:$0x16B60] =	vst v63  }
0xb2: {  	_ =	swait.ge [sflag:s24], $0x3E80  }
0xb3: {  	[sflag:s24] =	ssyncset.done $0x0  }
0xb4: {  	[sflag:s24] =	ssyncadd.s32 $0xFFFFC180  }
0xb5: {  	[spmem:s3] =	stream.indirect.scatter.add.bf16 [tilespmem:s21], [sflag:$0x3], $0x10, s31, s20, $0xb8;
	[tilespmem:$0x16B60] =	vst v63  }
0xb6: {  	_ =	swait.ge [sflag:s28], $0x3E80  }
0xb7: {  	[sflag:s28] =	ssyncset.done $0x0  }
0xb8: {  	[sflag:s28] =	ssyncadd.s32 $0xFFFFC180  }
0xb9: {  	[spmem:s3] =	stream.indirect.scatter.add.bf16 [tilespmem:s23], [sflag:$0x4], $0x10, s0, s20, $0xb8;
	[tilespmem:$0x16B60] =	vst v63  }
0xba: {  	_ =	swait.ge [sflag:s25], $0x3E80  }
0xbb: {  	[sflag:s25] =	ssyncset.done $0x0  }
0xbc: {  	[sflag:s25] =	ssyncadd.s32 $0xFFFFC180  }
0xbd: {  	_ =	swait.ge [sflag:s30], $0x3E80  }
0xbe: {  	[sflag:s30] =	ssyncset.done $0x0  }
0xbf: {  	[sflag:s30] =	ssyncadd.s32 $0xFFFFC180  }
0xc0: {  	[bflag:$0x0] =	sbarrier.arrive $0xFFFF  }
0xc1: {  	[tilespmem:s18], [sflag:$0x5] =	stream.linear.gather [spmem:s10], $0x2800, $0x38;
	[tilespmem:$0x16B60] =	vst v63  }
0xc2: {  	_ =	swait.ge [sflag:s16], $0x2800  }
0xc3: {  	[sflag:s16] =	ssyncset.done $0x0  }
0xc4: {  	s5 =	simm.s32 $0x0;
	[sflag:s16] =	ssyncadd.s32 $0xFFFFD800  }
0xc5: {  	s6 =	simm.s32 $0x40;
	v2 =	vld [tilespmem:s5+$0xF320]  }
.LBB2_6:
0xc6: {  	p4 =	sne.s32 s6, $0x9FC0;
	v3 =	vld [tilespmem:s5+$0x11B20];
	[tilespmem:s5+$0xF320] =	vst v0;
	_ =	sdelay $0x4  }
.Ltmp2:
0xc7: {  	v2 =	vadd.bf16 v3, v2;
	(pc) =	sbr.rel @p4 .LBB2_6-.Ltmp2, $4  }
0xc8: {  	_ = 	snop  }
0xc9: {  	vm0 =	vgt.bf16 v2, $0.0e+00  }
0xca: {  	s7 =	sshra.s32 s6, $0x2;
	v3 =	vsel vm0, v1, v0  }
0xcb: {  	s6 =	sadd.s32 $0x40, s6;
	v2 =	vld [tilespmem:s7+$0xF320];
	[tilespmem:s5+$0x11B20] =	vst v3;
	s5 =	smov.u32 s7  }
0xcc: {  	v3 =	vld [tilespmem:s5+$0x11B20];
	_ =	sdelay $0x4  }
0xcd: {  	v2 =	vadd.bf16 v3, v2;
	_ =	sdelay $0x1  }
0xce: {  	vm0 =	vgt.bf16 v2, $0.0e+00  }
0xcf: {  	[tilespmem:s5+$0xF320] =	vst v0;
	v2 =	vsel vm0, v1, v0  }
0xd0: {  	s6 =	simm.s32 $0x0;
	[tilespmem:s5+$0x11B20] =	vst v2  }
0xd1: {  	[hbm4b:s12+s6] =	stream.linear.scatter [tilespmem:s19], [sflag:$0x5], $0x2800, $0x38;
	[tilespmem:$0x16B60] =	vst v63  }
0xd2: {  	_ =	swait.ge [sflag:s16], $0x2800  }
0xd3: {  	[sflag:s16] =	ssyncset.done $0x0  }
0xd4: {  	[sflag:s16] =	ssyncadd.s32 $0xFFFFD800  }
0xd5: {  	[spmem:s10] =	stream.linear.scatter [tilespmem:s18], [sflag:$0x5], $0x2800, $0x38;
	[tilespmem:$0x16B60] =	vst v63  }
0xd6: {  	_ =	swait.ge [sflag:s16], $0x2800  }
0xd7: {  	[sflag:s16] =	ssyncset.done $0x0  }
0xd8: {  	[sflag:s16] =	ssyncadd.s32 $0xFFFFD800  }
0xd9: {  	[bflag:$0x0] =	sbarrier.arrive $0xFFFF  }
0xda: {  	[tilespmem:s21], [sflag:$0x1] =	stream.indirect.gather [hbm4b:s13+s20], $0x10, s17, s20, $0xb8;
	[tilespmem:$0x16B60] =	vst v63  }
0xdb: {  	_ = 	snop  }
0xdc: {  	[tilespmem:s23], [sflag:$0x2] =	stream.indirect.gather [hbm4b:s13+s20], $0x10, s8, s20, $0xb8;
	[tilespmem:$0x16B60] =	vst v63  }
0xdd: {  	_ =	swait.ge [sflag:s24], $0x3E80  }
0xde: {  	[sflag:s24] =	ssyncset.done $0x0  }
0xdf: {  	[sflag:s24] =	ssyncadd.s32 $0xFFFFC180  }
0xe0: {  	[spmem:s3] =	stream.indirect.scatter.add.bf16 [tilespmem:s21], [sflag:$0x3], $0x10, s15, s20, $0xb8;
	[tilespmem:$0x16B60] =	vst v63  }
0xe1: {  	_ =	swait.ge [sflag:s25], $0x3E80  }
0xe2: {  	[sflag:s25] =	ssyncset.done $0x0  }
0xe3: {  	[sflag:s25] =	ssyncadd.s32 $0xFFFFC180  }
0xe4: {  	[tilespmem:s21], [sflag:$0x1] =	stream.indirect.gather [hbm4b:s13+s20], $0x10, s9, s20, $0xb8;
	[tilespmem:$0x16B60] =	vst v63  }
0xe5: {  	_ =	swait.ge [sflag:s28], $0x3E80  }
0xe6: {  	[sflag:s28] =	ssyncset.done $0x0  }
0xe7: {  	[sflag:s28] =	ssyncadd.s32 $0xFFFFC180  }
0xe8: {  	[spmem:s3] =	stream.indirect.scatter.add.bf16 [tilespmem:s23], [sflag:$0x4], $0x10, s11, s20, $0xb8;
	[tilespmem:$0x16B60] =	vst v63  }
0xe9: {  	_ =	swait.ge [sflag:s30], $0x3E80  }
0xea: {  	[sflag:s30] =	ssyncset.done $0x0  }
0xeb: {  	s7 =	simm.s32 $0x5AC8;
	[sflag:s30] =	ssyncadd.s32 $0xFFFFC180  }
0xec: {  	[tilespmem:s23], [sflag:$0x2] =	stream.indirect.gather [hbm4b:s13+s20], $0x10, s7, s20, $0xb8;
	[tilespmem:$0x16B60] =	vst v63  }
0xed: {  	_ =	swait.ge [sflag:s24], $0x3E80  }
0xee: {  	[sflag:s24] =	ssyncset.done $0x0  }
0xef: {  	s8 =	simm.s32 $0x2FD0;
	[sflag:s24] =	ssyncadd.s32 $0xFFFFC180  }
0xf0: {  	[spmem:s3] =	stream.indirect.scatter.add.bf16 [tilespmem:s21], [sflag:$0x3], $0x10, s8, s20, $0xb8;
	[tilespmem:$0x16B60] =	vst v63  }
0xf1: {  	_ =	swait.ge [sflag:s25], $0x3E80  }
0xf2: {  	[sflag:s25] =	ssyncset.done $0x0  }
0xf3: {  	s9 =	simm.s32 $0x5EB0;
	[sflag:s25] =	ssyncadd.s32 $0xFFFFC180  }
0xf4: {  	[tilespmem:s21], [sflag:$0x1] =	stream.indirect.gather [hbm4b:s13+s20], $0x10, s9, s20, $0xb8;
	[tilespmem:$0x16B60] =	vst v63  }
0xf5: {  	_ =	swait.ge [sflag:s28], $0x3E80  }
0xf6: {  	[sflag:s28] =	ssyncset.done $0x0  }
0xf7: {  	s11 =	simm.s32 $0x33B8;
	[sflag:s28] =	ssyncadd.s32 $0xFFFFC180  }
0xf8: {  	[spmem:s3] =	stream.indirect.scatter.add.bf16 [tilespmem:s23], [sflag:$0x4], $0x10, s11, s20, $0xb8;
	[tilespmem:$0x16B60] =	vst v63  }
0xf9: {  	_ =	swait.ge [sflag:s30], $0x3E80  }
0xfa: {  	[sflag:s30] =	ssyncset.done $0x0  }
0xfb: {  	s6 =	simm.s32 $0x6298;
	[sflag:s30] =	ssyncadd.s32 $0xFFFFC180  }
0xfc: {  	[tilespmem:s23], [sflag:$0x2] =	stream.indirect.gather [hbm4b:s13+s20], $0x10, s6, s20, $0xb8;
	[tilespmem:$0x16B60] =	vst v63  }
0xfd: {  	_ =	swait.ge [sflag:s24], $0x3E80  }
0xfe: {  	[sflag:s24] =	ssyncset.done $0x0  }
0xff: {  	s7 =	simm.s32 $0x37A0;
	[sflag:s24] =	ssyncadd.s32 $0xFFFFC180  }
0x100: {  	[spmem:s3] =	stream.indirect.scatter.add.bf16 [tilespmem:s21], [sflag:$0x3], $0x10, s7, s20, $0xb8;
	[tilespmem:$0x16B60] =	vst v63  }
0x101: {  	_ =	swait.ge [sflag:s25], $0x3E80  }
0x102: {  	[sflag:s25] =	ssyncset.done $0x0  }
0x103: {  	s8 =	simm.s32 $0x6680;
	[sflag:s25] =	ssyncadd.s32 $0xFFFFC180  }
0x104: {  	[tilespmem:s21], [sflag:$0x1] =	stream.indirect.gather [hbm4b:s13+s20], $0x10, s8, s20, $0xb8;
	[tilespmem:$0x16B60] =	vst v63  }
0x105: {  	_ =	swait.ge [sflag:s28], $0x3E80  }
0x106: {  	[sflag:s28] =	ssyncset.done $0x0  }
0x107: {  	s9 =	simm.s32 $0x3B88;
	[sflag:s28] =	ssyncadd.s32 $0xFFFFC180  }
0x108: {  	[spmem:s3] =	stream.indirect.scatter.add.bf16 [tilespmem:s23], [sflag:$0x4], $0x10, s9, s20, $0xb8;
	[tilespmem:$0x16B60] =	vst v63  }
0x109: {  	_ =	swait.ge [sflag:s30], $0x3E80  }
0x10a: {  	[sflag:s30] =	ssyncset.done $0x0  }
0x10b: {  	s11 =	simm.s32 $0x6A68;
	[sflag:s30] =	ssyncadd.s32 $0xFFFFC180  }
0x10c: {  	[tilespmem:s23], [sflag:$0x2] =	stream.indirect.gather [hbm4b:s13+s20], $0x10, s11, s20, $0xb8;
	[tilespmem:$0x16B60] =	vst v63  }
0x10d: {  	_ =	swait.ge [sflag:s24], $0x3E80  }
0x10e: {  	[sflag:s24] =	ssyncset.done $0x0  }
0x10f: {  	[sflag:s24] =	ssyncadd.s32 $0xFFFFC180  }
0x110: {  	[spmem:s3] =	stream.indirect.scatter.add.bf16 [tilespmem:s21], [sflag:$0x3], $0x10, s14, s20, $0xb8;
	[tilespmem:$0x16B60] =	vst v63  }
0x111: {  	_ =	swait.ge [sflag:s25], $0x3E80  }
0x112: {  	[sflag:s25] =	ssyncset.done $0x0  }
0x113: {  	[sflag:s25] =	ssyncadd.s32 $0xFFFFC180  }
0x114: {  	[tilespmem:s21], [sflag:$0x1] =	stream.indirect.gather [hbm4b:s13+s20], $0x10, s22, s20, $0xb8;
	[tilespmem:$0x16B60] =	vst v63  }
0x115: {  	_ =	swait.ge [sflag:s28], $0x3E80  }
0x116: {  	[sflag:s28] =	ssyncset.done $0x0  }
0x117: {  	[sflag:s28] =	ssyncadd.s32 $0xFFFFC180  }
0x118: {  	[spmem:s3] =	stream.indirect.scatter.add.bf16 [tilespmem:s23], [sflag:$0x4], $0x10, s26, s20, $0xb8;
	[tilespmem:$0x16B60] =	vst v63  }
0x119: {  	_ =	swait.ge [sflag:s30], $0x3E80  }
0x11a: {  	[sflag:s30] =	ssyncset.done $0x0  }
0x11b: {  	[sflag:s30] =	ssyncadd.s32 $0xFFFFC180  }
0x11c: {  	[tilespmem:s23], [sflag:$0x2] =	stream.indirect.gather [hbm4b:s13+s20], $0x10, s29, s20, $0xb8;
	[tilespmem:$0x16B60] =	vst v63  }
0x11d: {  	_ =	swait.ge [sflag:s24], $0x3E80  }
0x11e: {  	[sflag:s24] =	ssyncset.done $0x0  }
0x11f: {  	[sflag:s24] =	ssyncadd.s32 $0xFFFFC180  }
0x120: {  	[spmem:s3] =	stream.indirect.scatter.add.bf16 [tilespmem:s21], [sflag:$0x3], $0x10, s31, s20, $0xb8;
	[tilespmem:$0x16B60] =	vst v63  }
0x121: {  	_ =	swait.ge [sflag:s28], $0x3E80  }
0x122: {  	[sflag:s28] =	ssyncset.done $0x0  }
0x123: {  	[sflag:s28] =	ssyncadd.s32 $0xFFFFC180  }
0x124: {  	[spmem:s3] =	stream.indirect.scatter.add.bf16 [tilespmem:s23], [sflag:$0x4], $0x10, s0, s20, $0xb8;
	[tilespmem:$0x16B60] =	vst v63  }
0x125: {  	_ =	swait.ge [sflag:s25], $0x3E80  }
0x126: {  	[sflag:s25] =	ssyncset.done $0x0  }
0x127: {  	[sflag:s25] =	ssyncadd.s32 $0xFFFFC180  }
0x128: {  	_ =	swait.ge [sflag:s30], $0x3E80  }
0x129: {  	[sflag:s30] =	ssyncset.done $0x0  }
0x12a: {  	[sflag:s30] =	ssyncadd.s32 $0xFFFFC180  }
0x12b: {  	[bflag:$0x0] =	sbarrier.arrive $0xFFFF  }
0x12c: {  	[tilespmem:s18], [sflag:$0x5] =	stream.linear.gather [spmem:s10], $0x2800, $0x38;
	[tilespmem:$0x16B60] =	vst v63  }
0x12d: {  	_ =	swait.ge [sflag:s16], $0x2800  }
0x12e: {  	[sflag:s16] =	ssyncset.done $0x0  }
0x12f: {  	s5 =	simm.s32 $0x0;
	[sflag:s16] =	ssyncadd.s32 $0xFFFFD800  }
0x130: {  	s6 =	simm.s32 $0x40;
	v2 =	vld [tilespmem:s5+$0xF320]  }
.LBB2_8:
0x131: {  	p4 =	sne.s32 s6, $0x9FC0;
	v3 =	vld [tilespmem:s5+$0x11B20];
	_ =	sdelay $0x4  }
.Ltmp3:
0x132: {  	v2 =	vadd.bf16 v3, v2;
	(pc) =	sbr.rel @p4 .LBB2_8-.Ltmp3, $4  }
0x133: {  	_ = 	snop  }
0x134: {  	vm0 =	vgt.bf16 v2, $0.0e+00  }
0x135: {  	s7 =	sshra.s32 s6, $0x2;
	v3 =	vsel vm0, v1, v0  }
0x136: {  	s6 =	sadd.s32 $0x40, s6;
	v2 =	vld [tilespmem:s7+$0xF320];
	[tilespmem:s5+$0x11B20] =	vst v3;
	s5 =	smov.u32 s7  }
0x137: {  	v3 =	vld [tilespmem:s5+$0x11B20];
	_ =	sdelay $0x4  }
0x138: {  	v2 =	vadd.bf16 v3, v2;
	_ =	sdelay $0x1  }
0x139: {  	vm0 =	vgt.bf16 v2, $0.0e+00  }
0x13a: {  	v2 =	vsel vm0, v1, v0  }
0x13b: {  	[tilespmem:s5+$0x11B20] =	vst v2  }
0x13c: {  	[hbm4b:s12+s4] =	stream.linear.scatter [tilespmem:s19], [sflag:$0x5], $0x2800, $0x38;
	[tilespmem:$0x16B60] =	vst v63  }
0x13d: {  	_ =	swait.ge [sflag:s16], $0x2800  }
0x13e: {  	s2 =	sadd.s32 $0x1, s2;
	s11 =	rddreg [dreg:$0xb]  }
0x13f: {  	p4 =	sne.s32 s2, s11  }
.Ltmp4:
0x140: {  	_ = 	snop;
	(pc) =	sbr.rel @p4 .LBB2_1-.Ltmp4, $3  }
0x141: {  	[sflag:s16] =	ssyncset.done $0x0  }
0x142: {  	[sflag:s16] =	ssyncadd.s32 $0xFFFFD800  }
0x143: {  	[bflag:$0x0] =	sbarrier.arrive $0xFFFF;
	_ =	sdelay $0x1  }
0x144: {  	_ =	sfence.sel $0x180000  }
0x145: {  	[bflag:$0x0] =	sbarrier.arrive $0xFFFF  }
0x146: {  	_ =	strace $0x90000047  }
0x147: {  	[bflag:$0x2] =	sbarrier.arrive $0xFFFF  }
0x148: {  	s0 =	rddreg [dreg:$0x4]  }
0x149: {  	s0 =	sadd.s32 @!p2 $0x100000, s0  }
0x14a: {  	[sflag:s0] =	ssyncadd.tile.s32 @!p2 $0x1;
	_ =	shalt  }
.Lfunc_end2:
_tile_overlayer_lowered:
.L_overlay_start_2:
0x14b: {  	(tag) =	ssettag $0x2  }
0x14c: {  	s0 =	rddreg [dreg:$0x0];
	s2 =	stileid.u32  }
0x14d: {  	s1 =	rddreg [dreg:$0x1];
	p0 =	sne.s32 s2, $0x0  }
0x14e: {  	s3 =	rddreg [dreg:$0x2];
	[bflag:$0x3] =	sbarrier.arrive $0xFFFF;
	s2 =	simm.s32 @!p0 $0x1C05  }
0x14f: {  	[timem:s3], [sflag:s2] =	dma.local @!p0 [hbm:s0], s1  }
0x150: {  	s0 =	simm.s32 @!p0 $0x5  }
0x151: {  	_ =	swait.ge @!p0 [sflag:s0], s1  }
0x152: {  	s1 =	ssub.s32 @!p0 $0x0, s1;
	[sflag:s0] =	ssyncset.done @!p0 $0x0  }
0x153: {  	[sflag:s0] =	ssyncadd.s32 @!p0 s1  }
0x154: {  	[bflag:$0x3] =	sbarrier.arrive $0xFFFF  }
0x155: {  	_ =	shalt  }

</sc_bundles>
